<compile_context>
chip_gen: v7x
topology: tpu7x:2x2x1
jax: 0.10.2.dev20260603
libtpu: 0.0.44.dev20260713+nightly
codegen_flags: <defaults>
</compile_context>

<pallas_src>
import functools

import jax
import jax.numpy as jnp
from jax import lax
from jax.experimental import pallas as pl
from jax.experimental.pallas import tpu as pltpu
from jax.experimental.pallas import tpu_sc as plsc

_B, _S, _D = 4, 8192, 2048
_LANES = 16
_NSEG = 8
_CHUNK = 8
_BLK = _LANES * _CHUNK
_HEAD = 2 * _BLK
_SEG = 9 * _BLK
_LAST = _S - _SEG
_BIG = 1 << 30

_mesh = plsc.VectorSubcoreMesh(core_axis_name="c", subcore_axis_name="s")


def _lane_min(x, iota):
    for sh in (8, 4, 2, 1):
        rot = lax.rem(iota + sh, jnp.full((_LANES,), _LANES, jnp.int32))
        x = jnp.minimum(x, x.at[rot].get(mode="promise_in_bounds"))
    return x[0]


@functools.partial(
    pl.kernel,
    out_type=jax.ShapeDtypeStruct((_B, _D), jnp.float32),
    mesh=_mesh,
    scratch_types=[
        pltpu.VMEM((_SEG,), jnp.int32),
        pltpu.VMEM((_LANES,), jnp.int32),
        pltpu.VMEM((_NSEG * _LANES,), jnp.int32),
        pltpu.VMEM_SHARED((16 * _LANES,), jnp.int32),
        pltpu.SMEM((1,), jnp.int32),
    ],
)
def _extract_eos(
    tokens_hbm, mask_hbm, out_hbm, words_v, cand_v, comb_v, shared, m_smem
):
    c = lax.axis_index("c")
    s = lax.axis_index("s")
    b = 2 * c + s // _NSEG
    g = s % _NSEG

    words_hbm = mask_hbm.bitcast(jnp.int32)
    iota = lax.iota(jnp.int32, _LANES)
    bmask = jnp.full((_LANES,), 0xFF, jnp.int32) << jnp.full(
        (_LANES,), 8 * b, jnp.int32
    )
    cand0 = jnp.full((_LANES,), _BIG, jnp.int32)
    slot = pl.ds(pl.multiple_of(s * _LANES, _LANES), _LANES)

    @pl.when(g == 0)
    def _():
        pltpu.sync_copy(words_hbm.at[0, pl.ds(0, _HEAD)], words_v.at[pl.ds(0, _HEAD)])
        cand = cand0
        for k in range(_HEAD // _LANES):
            off = k * _LANES
            v = words_v[pl.ds(off, _LANES)]
            cand = jnp.minimum(
                cand, jnp.where((v & bmask) != 0, iota + off, _BIG)
            )
        m0 = _lane_min(cand, iota)
        m_smem[0] = m0

        @pl.when(m0 < _BIG)
        def _():
            pltpu.sync_copy(tokens_hbm.at[b, m0], out_hbm.at[b])

        cand_v[...] = cand
        pltpu.sync_copy(cand_v, shared.at[slot])

    @pl.when(g != 0)
    def _():
        base_w = jnp.minimum(_HEAD + (g - 1) * _SEG, jnp.int32(_LAST))
        base_w = pl.multiple_of(base_w, 8)
        pltpu.sync_copy(words_hbm.at[0, pl.ds(base_w, _SEG)], words_v)

        def body(j, cand):
            base = j * _BLK
            for k in range(_CHUNK):
                off = base + k * _LANES
                v = words_v[pl.ds(off, _LANES)]
                cand = jnp.minimum(
                    cand,
                    jnp.where((v & bmask) != 0, iota + (base_w + off), _BIG),
                )
            return cand

        cand = lax.fori_loop(0, _SEG // _BLK, body, cand0)
        cand_v[...] = cand
        pltpu.sync_copy(cand_v, shared.at[slot])

    plsc.subcore_barrier()

    @pl.when(jnp.logical_and(g == 0, m_smem[0] >= _BIG))
    def _():
        base_slot = pl.multiple_of((s // _NSEG) * (_NSEG * _LANES), _NSEG * _LANES)
        pltpu.sync_copy(
            shared.at[pl.ds(base_slot, _NSEG * _LANES)], comb_v
        )
        acc = comb_v[pl.ds(0, _LANES)]
        for r in range(1, _NSEG):
            acc = jnp.minimum(acc, comb_v[pl.ds(r * _LANES, _LANES)])
        m = _lane_min(acc, iota)
        idx = jnp.where(m < _BIG, m, jnp.int32(0))
        pltpu.sync_copy(tokens_hbm.at[b, idx], out_hbm.at[b])


def kernel(tokens, eos_token_mask):
    return _extract_eos(tokens, eos_token_mask.view(jnp.uint8))

# --- scband reference (transcript-rebuilt; emitter-appended) ---
"""Pipeline reference for scband-extract-eos-3925600109389 (READ-ONLY COPY).

The authoritative reference and input builder live on the scoring server;
editing this copy changes nothing except your own understanding.
"""

import jax, jax.numpy as jnp
import numpy as np

B, S, D = 4, 8192, 2048

def setup_inputs(seed: int = 0) -> dict:
    key = jax.random.key(seed)
    k1, k2 = jax.random.split(key)
    tokens = jax.random.normal(k1, (B, S, D), dtype=jnp.float32)
    eos_token_mask = jax.random.randint(k2, (B, S), 0, 2).astype(bool)
    return {"tokens": tokens, "eos_token_mask": eos_token_mask}

def reference(tokens, eos_token_mask):
    Bq, Sq, Dq = tokens.shape
    idx = jnp.argmax(eos_token_mask.astype(jnp.float32), axis=-1)  # [B]
    idx3 = jnp.broadcast_to(idx.reshape(Bq, 1, 1), (Bq, 1, Dq))
    eos_token = jnp.take_along_axis(tokens, idx3, axis=1)  # [B, 1, D]
    return eos_token[:, 0, :]

if __name__ == "__main__":
    import jax
    _d = setup_inputs()
    print(jax.jit(kernel)(*tuple(_d.values())))

</pallas_src>

<mosaic_0001>
#map = affine_map<(d0, d1) -> (0, 0, 0)>
#map1 = affine_map<(d0, d1) -> (0, 0)>
module attributes {stable_mosaic.version = 14 : i64} {
  func.func @_extract_eos(%arg0: i32, %arg1: i32, %arg2: memref<4x8192x2048xf32, #tpu.memory_space<hbm>>, %arg3: memref<4x8192xi8, #tpu.memory_space<hbm>>, %arg4: memref<4x2048xf32, #tpu.memory_space<hbm>>, %arg5: memref<1152xi32, #tpu.memory_space<vmem>>, %arg6: memref<16xi32, #tpu.memory_space<vmem>>, %arg7: memref<128xi32, #tpu.memory_space<vmem>>, %arg8: memref<256xi32, #tpu.memory_space<vmem_shared>>, %arg9: memref<1xi32, #tpu.memory_space<smem>>) attributes {dimension_semantics = [#tpu.dimension_semantics<core_parallel>, #tpu.dimension_semantics<subcore_parallel>], iteration_bounds = array<i64: 2, 16>, scalar_prefetch = 0 : i64, scratch_operands = 5 : i64, tpu.core_type = #tpu.core_type<sc_vector_subcore>, window_params = [{transform_indices = #map}, {transform_indices = #map1}, {transform_indices = #map1}]} {
    %mul3A = arith.constant 2 : i32
    %mul3A_0 = arith.muli %mul3A, %arg0 : i32
    %jit3A = arith.constant 8 : i32
    %div3A = arith.divsi %arg1, %jit3A : i32
    %sign3A = arith.constant 0 : i32
    %sign3A_1 = arith.cmpi sgt, %arg1, %sign3A : i32
    %sign3A_2 = arith.extui %sign3A_1 : i1 to i32
    %sign3A_3 = arith.constant 0 : i32
    %sign3A_4 = arith.cmpi slt, %arg1, %sign3A_3 : i32
    %sign3A_5 = arith.extui %sign3A_4 : i1 to i32
    %sign3A_6 = arith.subi %sign3A_2, %sign3A_5 : i32
    %sign3A_7 = arith.constant 0 : i32
    %sign3A_8 = arith.cmpi sgt, %jit3A, %sign3A_7 : i32
    %sign3A_9 = arith.extui %sign3A_8 : i1 to i32
    %sign3A_10 = arith.constant 0 : i32
    %sign3A_11 = arith.cmpi slt, %jit3A, %sign3A_10 : i32
    %sign3A_12 = arith.extui %sign3A_11 : i1 to i32
    %sign3A_13 = arith.subi %sign3A_9, %sign3A_12 : i32
    %ne3A = arith.cmpi ne, %sign3A_6, %sign3A_13 : i32
    %rem3A = arith.remsi %arg1, %jit3A : i32
    %ne3A_14 = arith.constant 0 : i32
    %ne3A_15 = arith.cmpi ne, %rem3A, %ne3A_14 : i32
    %and3A = arith.andi %ne3A, %ne3A_15 : i1
    %sub3A = arith.constant 1 : i32
    %sub3A_16 = arith.subi %div3A, %sub3A : i32
    %select_n3A = arith.select %and3A, %sub3A_16, %div3A : i32
    %add3A = arith.addi %mul3A_0, %select_n3A : i32
    %jit3A_17 = arith.constant 8 : i32
    %eq3A = arith.constant 0 : i32
    %eq3A_18 = arith.cmpi eq, %jit3A_17, %eq3A : i32
    %jit3A_19 = arith.constant 1 : i32
    %select_n3A_20 = arith.select %eq3A_18, %jit3A_19, %jit3A_17 : i32
    %rem3A_21 = arith.remsi %arg1, %select_n3A_20 : i32
    %ne3A_22 = arith.constant 0 : i32
    %ne3A_23 = arith.cmpi ne, %rem3A_21, %ne3A_22 : i32
    %lt3A = arith.constant 0 : i32
    %lt3A_24 = arith.cmpi slt, %rem3A_21, %lt3A : i32
    %lt3A_25 = arith.constant 0 : i32
    %lt3A_26 = arith.cmpi slt, %select_n3A_20, %lt3A_25 : i32
    %ne3A_27 = arith.xori %lt3A_24, %lt3A_26 : i1
    %and3A_28 = arith.andi %ne3A_27, %ne3A_23 : i1
    %add3A_29 = arith.addi %rem3A_21, %select_n3A_20 : i32
    %select_n3A_30 = arith.select %and3A_28, %add3A_29, %rem3A_21 : i32
    %iota3A = tpu.iota {dimensions = array<i32: 0>} : vector<16xi32>
    %broadcast_in_dim3A = arith.constant 255 : i32
    %broadcast_in_dim3A_31 = vector.broadcast %broadcast_in_dim3A : i32 to vector<16xi32>
    %mul3A_32 = arith.constant 8 : i32
    %mul3A_33 = arith.muli %mul3A_32, %add3A : i32
    %broadcast_in_dim3A_34 = vector.broadcast %mul3A_33 : i32 to vector<16xi32>
    %shift_left3A = arith.shli %broadcast_in_dim3A_31, %broadcast_in_dim3A_34 : vector<16xi32>
    %broadcast_in_dim3A_35 = arith.constant 1073741824 : i32
    %broadcast_in_dim3A_36 = vector.broadcast %broadcast_in_dim3A_35 : i32 to vector<16xi32>
    %mul3A_37 = arith.constant 16 : i32
    %mul3A_38 = arith.muli %arg1, %mul3A_37 : i32
    %multiple_of3A = tpu.assume_multiple %mul3A_38, 16 : i32
    %eq3A_39 = arith.constant 0 : i32
    %eq3A_40 = arith.cmpi eq, %select_n3A_30, %eq3A_39 : i32
    %convert_element_type3A = arith.extui %eq3A_40 : i1 to i32
    %cond3A = arith.constant 0 : i32
    %cond3A_41 = arith.cmpi ne, %convert_element_type3A, %cond3A : i32
    scf.if %cond3A_41 {
      %run_scoped3A = arith.constant 0 : i32
      "tpu.region"() ({
        %run_scoped3A_357 = tpu.sem_alloc : memref<!tpu.dma_semaphore, #tpu.memory_space<semaphore_mem>>
        %dma_start3A = arith.constant 0 : i32
        %dma_start3A_358 = tpu.memref_slice %arg5[%dma_start3A] : memref<1152xi32, #tpu.memory_space<vmem>> -> memref<256xi32, #tpu.memory_space<vmem>>
        %dma_start3A_359 = tpu.memref_bitcast %arg3 : memref<4x8192xi8, #tpu.memory_space<hbm>> -> memref<1x8192xi32, #tpu.memory_space<hbm>>
        %dma_start3A_360 = arith.constant 0 : i32
        %dma_start3A_361 = tpu.memref_slice %dma_start3A_359[%run_scoped3A, %dma_start3A_360] : memref<1x8192xi32, #tpu.memory_space<hbm>> -> memref<1x256xi32, #tpu.memory_space<hbm>>
        %dma_start3A_362 = tpu.memref_squeeze %dma_start3A_361 : memref<1x256xi32, #tpu.memory_space<hbm>> -> memref<256xi32, #tpu.memory_space<hbm>>
        %dma_start3A_363 = arith.constant 0 : i32
        %dma_start3A_364 = tpu.memref_slice %arg5[%dma_start3A_363] : memref<1152xi32, #tpu.memory_space<vmem>> -> memref<256xi32, #tpu.memory_space<vmem>>
        %dma_start3A_365 = tpu.memref_bitcast %arg3 : memref<4x8192xi8, #tpu.memory_space<hbm>> -> memref<1x8192xi32, #tpu.memory_space<hbm>>
        %dma_start3A_366 = arith.constant 0 : i32
        %dma_start3A_367 = tpu.memref_slice %dma_start3A_365[%run_scoped3A, %dma_start3A_366] : memref<1x8192xi32, #tpu.memory_space<hbm>> -> memref<1x256xi32, #tpu.memory_space<hbm>>
        %dma_start3A_368 = tpu.memref_squeeze %dma_start3A_367 : memref<1x256xi32, #tpu.memory_space<hbm>> -> memref<256xi32, #tpu.memory_space<hbm>>
        tpu.enqueue_dma source(%dma_start3A_368 : memref<256xi32, #tpu.memory_space<hbm>>) target(%dma_start3A_364 : memref<256xi32, #tpu.memory_space<vmem>>) target_semaphore(%run_scoped3A_357 : memref<!tpu.dma_semaphore, #tpu.memory_space<semaphore_mem>>)
        %dma_wait3A = arith.constant 0 : i32
        %dma_wait3A_369 = tpu.memref_slice %arg5[%dma_wait3A] : memref<1152xi32, #tpu.memory_space<vmem>> -> memref<256xi32, #tpu.memory_space<vmem>>
        %dma_wait3A_370 = tpu.memref_bitcast %arg3 : memref<4x8192xi8, #tpu.memory_space<hbm>> -> memref<1x8192xi32, #tpu.memory_space<hbm>>
        %dma_wait3A_371 = arith.constant 0 : i32
        %dma_wait3A_372 = tpu.memref_slice %dma_wait3A_370[%run_scoped3A, %dma_wait3A_371] : memref<1x8192xi32, #tpu.memory_space<hbm>> -> memref<1x256xi32, #tpu.memory_space<hbm>>
        %dma_wait3A_373 = tpu.memref_squeeze %dma_wait3A_372 : memref<1x256xi32, #tpu.memory_space<hbm>> -> memref<256xi32, #tpu.memory_space<hbm>>
        %dma_wait3A_374 = arith.constant 0 : i32
        %dma_wait3A_375 = tpu.memref_slice %arg5[%dma_wait3A_374] : memref<1152xi32, #tpu.memory_space<vmem>> -> memref<256xi32, #tpu.memory_space<vmem>>
        %dma_wait3A_376 = tpu.memref_bitcast %arg3 : memref<4x8192xi8, #tpu.memory_space<hbm>> -> memref<1x8192xi32, #tpu.memory_space<hbm>>
        %dma_wait3A_377 = arith.constant 0 : i32
        %dma_wait3A_378 = tpu.memref_slice %dma_wait3A_376[%run_scoped3A, %dma_wait3A_377] : memref<1x8192xi32, #tpu.memory_space<hbm>> -> memref<1x256xi32, #tpu.memory_space<hbm>>
        %dma_wait3A_379 = tpu.memref_squeeze %dma_wait3A_378 : memref<1x256xi32, #tpu.memory_space<hbm>> -> memref<256xi32, #tpu.memory_space<hbm>>
        tpu.wait_dma2 semaphore(%run_scoped3A_357 : memref<!tpu.dma_semaphore, #tpu.memory_space<semaphore_mem>>) src(%dma_wait3A_379 : memref<256xi32, #tpu.memory_space<hbm>>) dst(%dma_wait3A_375 : memref<256xi32, #tpu.memory_space<vmem>>)
        tpu.yield
      }) : () -> ()
      %get3A_56 = arith.constant 0 : index
      %get3A_57 = tpu.vector_load %arg5[%get3A_56] {strides = array<i32>} : memref<1152xi32, #tpu.memory_space<vmem>>, vector<16xi32>,
      %get3A_58 = vector.shape_cast %get3A_57 : vector<16xi32> to vector<16xi32>
      %and3A_59 = arith.andi %get3A_58, %shift_left3A : vector<16xi32>
      %ne3A_60 = arith.constant 0 : i32
      %ne3A_61 = vector.broadcast %ne3A_60 : i32 to vector<16xi32>
      %ne3A_62 = arith.cmpi ne, %and3A_59, %ne3A_61 : vector<16xi32>
      %add3A_63 = arith.constant 0 : i32
      %add3A_64 = vector.broadcast %add3A_63 : i32 to vector<16xi32>
      %add3A_65 = arith.addi %iota3A, %add3A_64 : vector<16xi32>
      %jit3A_66 = arith.constant 1073741824 : i32
      %broadcast_in_dim3A_67 = vector.broadcast %jit3A_66 : i32 to vector<16xi32>
      %select_n3A_68 = arith.select %ne3A_62, %add3A_65, %broadcast_in_dim3A_67 : vector<16xi1>, vector<16xi32>
      %min3A = arith.minsi %broadcast_in_dim3A_36, %select_n3A_68 : vector<16xi32>
      %get3A_69 = arith.constant 16 : index
      %get3A_70 = tpu.vector_load %arg5[%get3A_69] {strides = array<i32>} : memref<1152xi32, #tpu.memory_space<vmem>>, vector<16xi32>,
      %get3A_71 = vector.shape_cast %get3A_70 : vector<16xi32> to vector<16xi32>
      %and3A_72 = arith.andi %get3A_71, %shift_left3A : vector<16xi32>
      %ne3A_73 = arith.constant 0 : i32
      %ne3A_74 = vector.broadcast %ne3A_73 : i32 to vector<16xi32>
      %ne3A_75 = arith.cmpi ne, %and3A_72, %ne3A_74 : vector<16xi32>
      %add3A_76 = arith.constant 16 : i32
      %add3A_77 = vector.broadcast %add3A_76 : i32 to vector<16xi32>
      %add3A_78 = arith.addi %iota3A, %add3A_77 : vector<16xi32>
      %jit3A_79 = arith.constant 1073741824 : i32
      %broadcast_in_dim3A_80 = vector.broadcast %jit3A_79 : i32 to vector<16xi32>
      %select_n3A_81 = arith.select %ne3A_75, %add3A_78, %broadcast_in_dim3A_80 : vector<16xi1>, vector<16xi32>
      %min3A_82 = arith.minsi %min3A, %select_n3A_81 : vector<16xi32>
      %get3A_83 = arith.constant 32 : index
      %get3A_84 = tpu.vector_load %arg5[%get3A_83] {strides = array<i32>} : memref<1152xi32, #tpu.memory_space<vmem>>, vector<16xi32>,
      %get3A_85 = vector.shape_cast %get3A_84 : vector<16xi32> to vector<16xi32>
      %and3A_86 = arith.andi %get3A_85, %shift_left3A : vector<16xi32>
      %ne3A_87 = arith.constant 0 : i32
      %ne3A_88 = vector.broadcast %ne3A_87 : i32 to vector<16xi32>
      %ne3A_89 = arith.cmpi ne, %and3A_86, %ne3A_88 : vector<16xi32>
      %add3A_90 = arith.constant 32 : i32
      %add3A_91 = vector.broadcast %add3A_90 : i32 to vector<16xi32>
      %add3A_92 = arith.addi %iota3A, %add3A_91 : vector<16xi32>
      %jit3A_93 = arith.constant 1073741824 : i32
      %broadcast_in_dim3A_94 = vector.broadcast %jit3A_93 : i32 to vector<16xi32>
      %select_n3A_95 = arith.select %ne3A_89, %add3A_92, %broadcast_in_dim3A_94 : vector<16xi1>, vector<16xi32>
      %min3A_96 = arith.minsi %min3A_82, %select_n3A_95 : vector<16xi32>
      %get3A_97 = arith.constant 48 : index
      %get3A_98 = tpu.vector_load %arg5[%get3A_97] {strides = array<i32>} : memref<1152xi32, #tpu.memory_space<vmem>>, vector<16xi32>,
      %get3A_99 = vector.shape_cast %get3A_98 : vector<16xi32> to vector<16xi32>
      %and3A_100 = arith.andi %get3A_99, %shift_left3A : vector<16xi32>
      %ne3A_101 = arith.constant 0 : i32
      %ne3A_102 = vector.broadcast %ne3A_101 : i32 to vector<16xi32>
      %ne3A_103 = arith.cmpi ne, %and3A_100, %ne3A_102 : vector<16xi32>
      %add3A_104 = arith.constant 48 : i32
      %add3A_105 = vector.broadcast %add3A_104 : i32 to vector<16xi32>
      %add3A_106 = arith.addi %iota3A, %add3A_105 : vector<16xi32>
      %jit3A_107 = arith.constant 1073741824 : i32
      %broadcast_in_dim3A_108 = vector.broadcast %jit3A_107 : i32 to vector<16xi32>
      %select_n3A_109 = arith.select %ne3A_103, %add3A_106, %broadcast_in_dim3A_108 : vector<16xi1>, vector<16xi32>
      %min3A_110 = arith.minsi %min3A_96, %select_n3A_109 : vector<16xi32>
      %get3A_111 = arith.constant 64 : index
      %get3A_112 = tpu.vector_load %arg5[%get3A_111] {strides = array<i32>} : memref<1152xi32, #tpu.memory_space<vmem>>, vector<16xi32>,
      %get3A_113 = vector.shape_cast %get3A_112 : vector<16xi32> to vector<16xi32>
      %and3A_114 = arith.andi %get3A_113, %shift_left3A : vector<16xi32>
      %ne3A_115 = arith.constant 0 : i32
      %ne3A_116 = vector.broadcast %ne3A_115 : i32 to vector<16xi32>
      %ne3A_117 = arith.cmpi ne, %and3A_114, %ne3A_116 : vector<16xi32>
      %add3A_118 = arith.constant 64 : i32
      %add3A_119 = vector.broadcast %add3A_118 : i32 to vector<16xi32>
      %add3A_120 = arith.addi %iota3A, %add3A_119 : vector<16xi32>
      %jit3A_121 = arith.constant 1073741824 : i32
      %broadcast_in_dim3A_122 = vector.broadcast %jit3A_121 : i32 to vector<16xi32>
      %select_n3A_123 = arith.select %ne3A_117, %add3A_120, %broadcast_in_dim3A_122 : vector<16xi1>, vector<16xi32>
      %min3A_124 = arith.minsi %min3A_110, %select_n3A_123 : vector<16xi32>
      %get3A_125 = arith.constant 80 : index
      %get3A_126 = tpu.vector_load %arg5[%get3A_125] {strides = array<i32>} : memref<1152xi32, #tpu.memory_space<vmem>>, vector<16xi32>,
      %get3A_127 = vector.shape_cast %get3A_126 : vector<16xi32> to vector<16xi32>
      %and3A_128 = arith.andi %get3A_127, %shift_left3A : vector<16xi32>
      %ne3A_129 = arith.constant 0 : i32
      %ne3A_130 = vector.broadcast %ne3A_129 : i32 to vector<16xi32>
      %ne3A_131 = arith.cmpi ne, %and3A_128, %ne3A_130 : vector<16xi32>
      %add3A_132 = arith.constant 80 : i32
      %add3A_133 = vector.broadcast %add3A_132 : i32 to vector<16xi32>
      %add3A_134 = arith.addi %iota3A, %add3A_133 : vector<16xi32>
      %jit3A_135 = arith.constant 1073741824 : i32
      %broadcast_in_dim3A_136 = vector.broadcast %jit3A_135 : i32 to vector<16xi32>
      %select_n3A_137 = arith.select %ne3A_131, %add3A_134, %broadcast_in_dim3A_136 : vector<16xi1>, vector<16xi32>
      %min3A_138 = arith.minsi %min3A_124, %select_n3A_137 : vector<16xi32>
      %get3A_139 = arith.constant 96 : index
      %get3A_140 = tpu.vector_load %arg5[%get3A_139] {strides = array<i32>} : memref<1152xi32, #tpu.memory_space<vmem>>, vector<16xi32>,
      %get3A_141 = vector.shape_cast %get3A_140 : vector<16xi32> to vector<16xi32>
      %and3A_142 = arith.andi %get3A_141, %shift_left3A : vector<16xi32>
      %ne3A_143 = arith.constant 0 : i32
      %ne3A_144 = vector.broadcast %ne3A_143 : i32 to vector<16xi32>
      %ne3A_145 = arith.cmpi ne, %and3A_142, %ne3A_144 : vector<16xi32>
      %add3A_146 = arith.constant 96 : i32
      %add3A_147 = vector.broadcast %add3A_146 : i32 to vector<16xi32>
      %add3A_148 = arith.addi %iota3A, %add3A_147 : vector<16xi32>
      %jit3A_149 = arith.constant 1073741824 : i32
      %broadcast_in_dim3A_150 = vector.broadcast %jit3A_149 : i32 to vector<16xi32>
      %select_n3A_151 = arith.select %ne3A_145, %add3A_148, %broadcast_in_dim3A_150 : vector<16xi1>, vector<16xi32>
      %min3A_152 = arith.minsi %min3A_138, %select_n3A_151 : vector<16xi32>
      %get3A_153 = arith.constant 112 : index
      %get3A_154 = tpu.vector_load %arg5[%get3A_153] {strides = array<i32>} : memref<1152xi32, #tpu.memory_space<vmem>>, vector<16xi32>,
      %get3A_155 = vector.shape_cast %get3A_154 : vector<16xi32> to vector<16xi32>
      %and3A_156 = arith.andi %get3A_155, %shift_left3A : vector<16xi32>
      %ne3A_157 = arith.constant 0 : i32
      %ne3A_158 = vector.broadcast %ne3A_157 : i32 to vector<16xi32>
      %ne3A_159 = arith.cmpi ne, %and3A_156, %ne3A_158 : vector<16xi32>
      %add3A_160 = arith.constant 112 : i32
      %add3A_161 = vector.broadcast %add3A_160 : i32 to vector<16xi32>
      %add3A_162 = arith.addi %iota3A, %add3A_161 : vector<16xi32>
      %jit3A_163 = arith.constant 1073741824 : i32
      %broadcast_in_dim3A_164 = vector.broadcast %jit3A_163 : i32 to vector<16xi32>
      %select_n3A_165 = arith.select %ne3A_159, %add3A_162, %broadcast_in_dim3A_164 : vector<16xi1>, vector<16xi32>
      %min3A_166 = arith.minsi %min3A_152, %select_n3A_165 : vector<16xi32>
      %get3A_167 = arith.constant 128 : index
      %get3A_168 = tpu.vector_load %arg5[%get3A_167] {strides = array<i32>} : memref<1152xi32, #tpu.memory_space<vmem>>, vector<16xi32>,
      %get3A_169 = vector.shape_cast %get3A_168 : vector<16xi32> to vector<16xi32>
      %and3A_170 = arith.andi %get3A_169, %shift_left3A : vector<16xi32>
      %ne3A_171 = arith.constant 0 : i32
      %ne3A_172 = vector.broadcast %ne3A_171 : i32 to vector<16xi32>
      %ne3A_173 = arith.cmpi ne, %and3A_170, %ne3A_172 : vector<16xi32>
      %add3A_174 = arith.constant 128 : i32
      %add3A_175 = vector.broadcast %add3A_174 : i32 to vector<16xi32>
      %add3A_176 = arith.addi %iota3A, %add3A_175 : vector<16xi32>
      %jit3A_177 = arith.constant 1073741824 : i32
      %broadcast_in_dim3A_178 = vector.broadcast %jit3A_177 : i32 to vector<16xi32>
      %select_n3A_179 = arith.select %ne3A_173, %add3A_176, %broadcast_in_dim3A_178 : vector<16xi1>, vector<16xi32>
      %min3A_180 = arith.minsi %min3A_166, %select_n3A_179 : vector<16xi32>
      %get3A_181 = arith.constant 144 : index
      %get3A_182 = tpu.vector_load %arg5[%get3A_181] {strides = array<i32>} : memref<1152xi32, #tpu.memory_space<vmem>>, vector<16xi32>,
      %get3A_183 = vector.shape_cast %get3A_182 : vector<16xi32> to vector<16xi32>
      %and3A_184 = arith.andi %get3A_183, %shift_left3A : vector<16xi32>
      %ne3A_185 = arith.constant 0 : i32
      %ne3A_186 = vector.broadcast %ne3A_185 : i32 to vector<16xi32>
      %ne3A_187 = arith.cmpi ne, %and3A_184, %ne3A_186 : vector<16xi32>
      %add3A_188 = arith.constant 144 : i32
      %add3A_189 = vector.broadcast %add3A_188 : i32 to vector<16xi32>
      %add3A_190 = arith.addi %iota3A, %add3A_189 : vector<16xi32>
      %jit3A_191 = arith.constant 1073741824 : i32
      %broadcast_in_dim3A_192 = vector.broadcast %jit3A_191 : i32 to vector<16xi32>
      %select_n3A_193 = arith.select %ne3A_187, %add3A_190, %broadcast_in_dim3A_192 : vector<16xi1>, vector<16xi32>
      %min3A_194 = arith.minsi %min3A_180, %select_n3A_193 : vector<16xi32>
      %get3A_195 = arith.constant 160 : index
      %get3A_196 = tpu.vector_load %arg5[%get3A_195] {strides = array<i32>} : memref<1152xi32, #tpu.memory_space<vmem>>, vector<16xi32>,
      %get3A_197 = vector.shape_cast %get3A_196 : vector<16xi32> to vector<16xi32>
      %and3A_198 = arith.andi %get3A_197, %shift_left3A : vector<16xi32>
      %ne3A_199 = arith.constant 0 : i32
      %ne3A_200 = vector.broadcast %ne3A_199 : i32 to vector<16xi32>
      %ne3A_201 = arith.cmpi ne, %and3A_198, %ne3A_200 : vector<16xi32>
      %add3A_202 = arith.constant 160 : i32
      %add3A_203 = vector.broadcast %add3A_202 : i32 to vector<16xi32>
      %add3A_204 = arith.addi %iota3A, %add3A_203 : vector<16xi32>
      %jit3A_205 = arith.constant 1073741824 : i32
      %broadcast_in_dim3A_206 = vector.broadcast %jit3A_205 : i32 to vector<16xi32>
      %select_n3A_207 = arith.select %ne3A_201, %add3A_204, %broadcast_in_dim3A_206 : vector<16xi1>, vector<16xi32>
      %min3A_208 = arith.minsi %min3A_194, %select_n3A_207 : vector<16xi32>
      %get3A_209 = arith.constant 176 : index
      %get3A_210 = tpu.vector_load %arg5[%get3A_209] {strides = array<i32>} : memref<1152xi32, #tpu.memory_space<vmem>>, vector<16xi32>,
      %get3A_211 = vector.shape_cast %get3A_210 : vector<16xi32> to vector<16xi32>
      %and3A_212 = arith.andi %get3A_211, %shift_left3A : vector<16xi32>
      %ne3A_213 = arith.constant 0 : i32
      %ne3A_214 = vector.broadcast %ne3A_213 : i32 to vector<16xi32>
      %ne3A_215 = arith.cmpi ne, %and3A_212, %ne3A_214 : vector<16xi32>
      %add3A_216 = arith.constant 176 : i32
      %add3A_217 = vector.broadcast %add3A_216 : i32 to vector<16xi32>
      %add3A_218 = arith.addi %iota3A, %add3A_217 : vector<16xi32>
      %jit3A_219 = arith.constant 1073741824 : i32
      %broadcast_in_dim3A_220 = vector.broadcast %jit3A_219 : i32 to vector<16xi32>
      %select_n3A_221 = arith.select %ne3A_215, %add3A_218, %broadcast_in_dim3A_220 : vector<16xi1>, vector<16xi32>
      %min3A_222 = arith.minsi %min3A_208, %select_n3A_221 : vector<16xi32>
      %get3A_223 = arith.constant 192 : index
      %get3A_224 = tpu.vector_load %arg5[%get3A_223] {strides = array<i32>} : memref<1152xi32, #tpu.memory_space<vmem>>, vector<16xi32>,
      %get3A_225 = vector.shape_cast %get3A_224 : vector<16xi32> to vector<16xi32>
      %and3A_226 = arith.andi %get3A_225, %shift_left3A : vector<16xi32>
      %ne3A_227 = arith.constant 0 : i32
      %ne3A_228 = vector.broadcast %ne3A_227 : i32 to vector<16xi32>
      %ne3A_229 = arith.cmpi ne, %and3A_226, %ne3A_228 : vector<16xi32>
      %add3A_230 = arith.constant 192 : i32
      %add3A_231 = vector.broadcast %add3A_230 : i32 to vector<16xi32>
      %add3A_232 = arith.addi %iota3A, %add3A_231 : vector<16xi32>
      %jit3A_233 = arith.constant 1073741824 : i32
      %broadcast_in_dim3A_234 = vector.broadcast %jit3A_233 : i32 to vector<16xi32>
      %select_n3A_235 = arith.select %ne3A_229, %add3A_232, %broadcast_in_dim3A_234 : vector<16xi1>, vector<16xi32>
      %min3A_236 = arith.minsi %min3A_222, %select_n3A_235 : vector<16xi32>
      %get3A_237 = arith.constant 208 : index
      %get3A_238 = tpu.vector_load %arg5[%get3A_237] {strides = array<i32>} : memref<1152xi32, #tpu.memory_space<vmem>>, vector<16xi32>,
      %get3A_239 = vector.shape_cast %get3A_238 : vector<16xi32> to vector<16xi32>
      %and3A_240 = arith.andi %get3A_239, %shift_left3A : vector<16xi32>
      %ne3A_241 = arith.constant 0 : i32
      %ne3A_242 = vector.broadcast %ne3A_241 : i32 to vector<16xi32>
      %ne3A_243 = arith.cmpi ne, %and3A_240, %ne3A_242 : vector<16xi32>
      %add3A_244 = arith.constant 208 : i32
      %add3A_245 = vector.broadcast %add3A_244 : i32 to vector<16xi32>
      %add3A_246 = arith.addi %iota3A, %add3A_245 : vector<16xi32>
      %jit3A_247 = arith.constant 1073741824 : i32
      %broadcast_in_dim3A_248 = vector.broadcast %jit3A_247 : i32 to vector<16xi32>
      %select_n3A_249 = arith.select %ne3A_243, %add3A_246, %broadcast_in_dim3A_248 : vector<16xi1>, vector<16xi32>
      %min3A_250 = arith.minsi %min3A_236, %select_n3A_249 : vector<16xi32>
      %get3A_251 = arith.constant 224 : index
      %get3A_252 = tpu.vector_load %arg5[%get3A_251] {strides = array<i32>} : memref<1152xi32, #tpu.memory_space<vmem>>, vector<16xi32>,
      %get3A_253 = vector.shape_cast %get3A_252 : vector<16xi32> to vector<16xi32>
      %and3A_254 = arith.andi %get3A_253, %shift_left3A : vector<16xi32>
      %ne3A_255 = arith.constant 0 : i32
      %ne3A_256 = vector.broadcast %ne3A_255 : i32 to vector<16xi32>
      %ne3A_257 = arith.cmpi ne, %and3A_254, %ne3A_256 : vector<16xi32>
      %add3A_258 = arith.constant 224 : i32
      %add3A_259 = vector.broadcast %add3A_258 : i32 to vector<16xi32>
      %add3A_260 = arith.addi %iota3A, %add3A_259 : vector<16xi32>
      %jit3A_261 = arith.constant 1073741824 : i32
      %broadcast_in_dim3A_262 = vector.broadcast %jit3A_261 : i32 to vector<16xi32>
      %select_n3A_263 = arith.select %ne3A_257, %add3A_260, %broadcast_in_dim3A_262 : vector<16xi1>, vector<16xi32>
      %min3A_264 = arith.minsi %min3A_250, %select_n3A_263 : vector<16xi32>
      %get3A_265 = arith.constant 240 : index
      %get3A_266 = tpu.vector_load %arg5[%get3A_265] {strides = array<i32>} : memref<1152xi32, #tpu.memory_space<vmem>>, vector<16xi32>,
      %get3A_267 = vector.shape_cast %get3A_266 : vector<16xi32> to vector<16xi32>
      %and3A_268 = arith.andi %get3A_267, %shift_left3A : vector<16xi32>
      %ne3A_269 = arith.constant 0 : i32
      %ne3A_270 = vector.broadcast %ne3A_269 : i32 to vector<16xi32>
      %ne3A_271 = arith.cmpi ne, %and3A_268, %ne3A_270 : vector<16xi32>
      %add3A_272 = arith.constant 240 : i32
      %add3A_273 = vector.broadcast %add3A_272 : i32 to vector<16xi32>
      %add3A_274 = arith.addi %iota3A, %add3A_273 : vector<16xi32>
      %jit3A_275 = arith.constant 1073741824 : i32
      %broadcast_in_dim3A_276 = vector.broadcast %jit3A_275 : i32 to vector<16xi32>
      %select_n3A_277 = arith.select %ne3A_271, %add3A_274, %broadcast_in_dim3A_276 : vector<16xi1>, vector<16xi32>
      %min3A_278 = arith.minsi %min3A_264, %select_n3A_277 : vector<16xi32>
      %add3A_279 = arith.constant 8 : i32
      %add3A_280 = vector.broadcast %add3A_279 : i32 to vector<16xi32>
      %add3A_281 = arith.addi %iota3A, %add3A_280 : vector<16xi32>
      %broadcast_in_dim3A_282 = arith.constant 16 : i32
      %broadcast_in_dim3A_283 = vector.broadcast %broadcast_in_dim3A_282 : i32 to vector<16xi32>
      %rem3A_284 = arith.remsi %add3A_281, %broadcast_in_dim3A_283 : vector<16xi32>
      %lt3A_285 = arith.constant 0 : i32
      %lt3A_286 = vector.broadcast %lt3A_285 : i32 to vector<16xi32>
      %lt3A_287 = arith.cmpi slt, %rem3A_284, %lt3A_286 : vector<16xi32>
      %add3A_288 = arith.constant 16 : i32
      %add3A_289 = vector.broadcast %add3A_288 : i32 to vector<16xi32>
      %add3A_290 = arith.addi %rem3A_284, %add3A_289 : vector<16xi32>
      %select_n3A_291 = arith.select %lt3A_287, %add3A_290, %rem3A_284 : vector<16xi1>, vector<16xi32>
      %broadcast_in_dim3A_292 = vector.shape_cast %select_n3A_291 : vector<16xi32> to vector<16x1xi32>
      %gather3A = vector.shape_cast %broadcast_in_dim3A_292 : vector<16x1xi32> to vector<16xi32>
      %gather3A_293 = tpu.dynamic_gather %min3A_278[%gather3A] in [0] : vector<16xi32>, vector<16xi32> -> vector<16xi32>
      %min3A_294 = arith.minsi %min3A_278, %gather3A_293 : vector<16xi32>
      %add3A_295 = arith.constant 4 : i32
      %add3A_296 = vector.broadcast %add3A_295 : i32 to vector<16xi32>
      %add3A_297 = arith.addi %iota3A, %add3A_296 : vector<16xi32>
      %broadcast_in_dim3A_298 = arith.constant 16 : i32
      %broadcast_in_dim3A_299 = vector.broadcast %broadcast_in_dim3A_298 : i32 to vector<16xi32>
      %rem3A_300 = arith.remsi %add3A_297, %broadcast_in_dim3A_299 : vector<16xi32>
      %lt3A_301 = arith.constant 0 : i32
      %lt3A_302 = vector.broadcast %lt3A_301 : i32 to vector<16xi32>
      %lt3A_303 = arith.cmpi slt, %rem3A_300, %lt3A_302 : vector<16xi32>
      %add3A_304 = arith.constant 16 : i32
      %add3A_305 = vector.broadcast %add3A_304 : i32 to vector<16xi32>
      %add3A_306 = arith.addi %rem3A_300, %add3A_305 : vector<16xi32>
      %select_n3A_307 = arith.select %lt3A_303, %add3A_306, %rem3A_300 : vector<16xi1>, vector<16xi32>
      %broadcast_in_dim3A_308 = vector.shape_cast %select_n3A_307 : vector<16xi32> to vector<16x1xi32>
      %gather3A_309 = vector.shape_cast %broadcast_in_dim3A_308 : vector<16x1xi32> to vector<16xi32>
      %gather3A_310 = tpu.dynamic_gather %min3A_294[%gather3A_309] in [0] : vector<16xi32>, vector<16xi32> -> vector<16xi32>
      %min3A_311 = arith.minsi %min3A_294, %gather3A_310 : vector<16xi32>
      %add3A_312 = arith.constant 2 : i32
      %add3A_313 = vector.broadcast %add3A_312 : i32 to vector<16xi32>
      %add3A_314 = arith.addi %iota3A, %add3A_313 : vector<16xi32>
      %broadcast_in_dim3A_315 = arith.constant 16 : i32
      %broadcast_in_dim3A_316 = vector.broadcast %broadcast_in_dim3A_315 : i32 to vector<16xi32>
      %rem3A_317 = arith.remsi %add3A_314, %broadcast_in_dim3A_316 : vector<16xi32>
      %lt3A_318 = arith.constant 0 : i32
      %lt3A_319 = vector.broadcast %lt3A_318 : i32 to vector<16xi32>
      %lt3A_320 = arith.cmpi slt, %rem3A_317, %lt3A_319 : vector<16xi32>
      %add3A_321 = arith.constant 16 : i32
      %add3A_322 = vector.broadcast %add3A_321 : i32 to vector<16xi32>
      %add3A_323 = arith.addi %rem3A_317, %add3A_322 : vector<16xi32>
      %select_n3A_324 = arith.select %lt3A_320, %add3A_323, %rem3A_317 : vector<16xi1>, vector<16xi32>
      %broadcast_in_dim3A_325 = vector.shape_cast %select_n3A_324 : vector<16xi32> to vector<16x1xi32>
      %gather3A_326 = vector.shape_cast %broadcast_in_dim3A_325 : vector<16x1xi32> to vector<16xi32>
      %gather3A_327 = tpu.dynamic_gather %min3A_311[%gather3A_326] in [0] : vector<16xi32>, vector<16xi32> -> vector<16xi32>
      %min3A_328 = arith.minsi %min3A_311, %gather3A_327 : vector<16xi32>
      %add3A_329 = arith.constant 1 : i32
      %add3A_330 = vector.broadcast %add3A_329 : i32 to vector<16xi32>
      %add3A_331 = arith.addi %iota3A, %add3A_330 : vector<16xi32>
      %broadcast_in_dim3A_332 = arith.constant 16 : i32
      %broadcast_in_dim3A_333 = vector.broadcast %broadcast_in_dim3A_332 : i32 to vector<16xi32>
      %rem3A_334 = arith.remsi %add3A_331, %broadcast_in_dim3A_333 : vector<16xi32>
      %lt3A_335 = arith.constant 0 : i32
      %lt3A_336 = vector.broadcast %lt3A_335 : i32 to vector<16xi32>
      %lt3A_337 = arith.cmpi slt, %rem3A_334, %lt3A_336 : vector<16xi32>
      %add3A_338 = arith.constant 16 : i32
      %add3A_339 = vector.broadcast %add3A_338 : i32 to vector<16xi32>
      %add3A_340 = arith.addi %rem3A_334, %add3A_339 : vector<16xi32>
      %select_n3A_341 = arith.select %lt3A_337, %add3A_340, %rem3A_334 : vector<16xi1>, vector<16xi32>
      %broadcast_in_dim3A_342 = vector.shape_cast %select_n3A_341 : vector<16xi32> to vector<16x1xi32>
      %gather3A_343 = vector.shape_cast %broadcast_in_dim3A_342 : vector<16x1xi32> to vector<16xi32>
      %gather3A_344 = tpu.dynamic_gather %min3A_328[%gather3A_343] in [0] : vector<16xi32>, vector<16xi32> -> vector<16xi32>
      %min3A_345 = arith.minsi %min3A_328, %gather3A_344 : vector<16xi32>
      %slice3A = vector.extract_strided_slice %min3A_345 {offsets = [0], sizes = [1], strides = [1]} : vector<16xi32> to vector<1xi32>
      %squeeze3A = vector.extract %slice3A[0] : i32 from vector<1xi32>
      %swap3A = arith.constant 0 : i32
      %swap3A_346 = arith.index_cast %swap3A : i32 to index
      %swap3A_347 = memref.load %arg9[%swap3A_346] : memref<1xi32, #tpu.memory_space<smem>>
      memref.store %squeeze3A, %arg9[%swap3A_346] : memref<1xi32, #tpu.memory_space<smem>>
      %lt3A_348 = arith.constant 1073741824 : i32
      %lt3A_349 = arith.cmpi slt, %squeeze3A, %lt3A_348 : i32
      %convert_element_type3A_350 = arith.extui %lt3A_349 : i1 to i32
      %cond3A_351 = arith.constant 0 : i32
      %cond3A_352 = arith.cmpi ne, %convert_element_type3A_350, %cond3A_351 : i32
      scf.if %cond3A_352 {
        "tpu.region"() ({
          %run_scoped3A_357 = tpu.sem_alloc : memref<!tpu.dma_semaphore, #tpu.memory_space<semaphore_mem>>
          %dma_start3A = arith.constant 0 : i32
          %dma_start3A_358 = tpu.memref_slice %arg4[%add3A, %dma_start3A] : memref<4x2048xf32, #tpu.memory_space<hbm>> -> memref<1x2048xf32, #tpu.memory_space<hbm>>
          %dma_start3A_359 = tpu.memref_squeeze %dma_start3A_358 : memref<1x2048xf32, #tpu.memory_space<hbm>> -> memref<2048xf32, #tpu.memory_space<hbm>>
          %dma_start3A_360 = arith.constant 0 : i32
          %dma_start3A_361 = tpu.memref_slice %arg2[%add3A, %squeeze3A, %dma_start3A_360] : memref<4x8192x2048xf32, #tpu.memory_space<hbm>> -> memref<1x1x2048xf32, #tpu.memory_space<hbm>>
          %dma_start3A_362 = tpu.memref_squeeze %dma_start3A_361 : memref<1x1x2048xf32, #tpu.memory_space<hbm>> -> memref<2048xf32, #tpu.memory_space<hbm>>
          tpu.enqueue_dma source(%dma_start3A_362 : memref<2048xf32, #tpu.memory_space<hbm>>) target(%dma_start3A_359 : memref<2048xf32, #tpu.memory_space<hbm>>) target_semaphore(%run_scoped3A_357 : memref<!tpu.dma_semaphore, #tpu.memory_space<semaphore_mem>>)
          %dma_wait3A = arith.constant 0 : i32
          %dma_wait3A_363 = tpu.memref_slice %arg4[%add3A, %dma_wait3A] : memref<4x2048xf32, #tpu.memory_space<hbm>> -> memref<1x2048xf32, #tpu.memory_space<hbm>>
          %dma_wait3A_364 = tpu.memref_squeeze %dma_wait3A_363 : memref<1x2048xf32, #tpu.memory_space<hbm>> -> memref<2048xf32, #tpu.memory_space<hbm>>
          %dma_wait3A_365 = arith.constant 0 : i32
          %dma_wait3A_366 = tpu.memref_slice %arg2[%add3A, %squeeze3A, %dma_wait3A_365] : memref<4x8192x2048xf32, #tpu.memory_space<hbm>> -> memref<1x1x2048xf32, #tpu.memory_space<hbm>>
          %dma_wait3A_367 = tpu.memref_squeeze %dma_wait3A_366 : memref<1x1x2048xf32, #tpu.memory_space<hbm>> -> memref<2048xf32, #tpu.memory_space<hbm>>
          tpu.wait_dma2 semaphore(%run_scoped3A_357 : memref<!tpu.dma_semaphore, #tpu.memory_space<semaphore_mem>>) src(%dma_wait3A_367 : memref<2048xf32, #tpu.memory_space<hbm>>) dst(%dma_wait3A_364 : memref<2048xf32, #tpu.memory_space<hbm>>)
          tpu.yield
        }) : () -> ()
      } else {
      }
      %swap3A_353 = arith.constant 0 : index
      %swap3A_354 = tpu.vector_load %arg6[%swap3A_353] {strides = array<i32>} : memref<16xi32, #tpu.memory_space<vmem>>, vector<16xi32>,
      %swap3A_355 = vector.shape_cast %swap3A_354 : vector<16xi32> to vector<16xi32>
      %swap3A_356 = vector.shape_cast %min3A_278 : vector<16xi32> to vector<16xi32>
      tpu.vector_store %arg6[%swap3A_353], %swap3A_356 {strides = array<i32>} : memref<16xi32, #tpu.memory_space<vmem>>, vector<16xi32>,
      "tpu.region"() ({
        %run_scoped3A_357 = tpu.sem_alloc : memref<!tpu.dma_semaphore, #tpu.memory_space<semaphore_mem>>
        %dma_start3A = tpu.memref_slice %arg8[%multiple_of3A] : memref<256xi32, #tpu.memory_space<vmem_shared>> -> memref<16xi32, #tpu.memory_space<vmem_shared>>
        %dma_start3A_358 = tpu.memref_slice %arg8[%multiple_of3A] : memref<256xi32, #tpu.memory_space<vmem_shared>> -> memref<16xi32, #tpu.memory_space<vmem_shared>>
        tpu.enqueue_dma source(%arg6 : memref<16xi32, #tpu.memory_space<vmem>>) target(%dma_start3A_358 : memref<16xi32, #tpu.memory_space<vmem_shared>>) target_semaphore(%run_scoped3A_357 : memref<!tpu.dma_semaphore, #tpu.memory_space<semaphore_mem>>)
        %dma_wait3A = tpu.memref_slice %arg8[%multiple_of3A] : memref<256xi32, #tpu.memory_space<vmem_shared>> -> memref<16xi32, #tpu.memory_space<vmem_shared>>
        %dma_wait3A_359 = tpu.memref_slice %arg8[%multiple_of3A] : memref<256xi32, #tpu.memory_space<vmem_shared>> -> memref<16xi32, #tpu.memory_space<vmem_shared>>
        tpu.wait_dma2 semaphore(%run_scoped3A_357 : memref<!tpu.dma_semaphore, #tpu.memory_space<semaphore_mem>>) src(%arg6 : memref<16xi32, #tpu.memory_space<vmem>>) dst(%dma_wait3A_359 : memref<16xi32, #tpu.memory_space<vmem_shared>>)
        tpu.yield
      }) : () -> ()
    } else {
    }
    %ne3A_42 = arith.constant 0 : i32
    %ne3A_43 = arith.cmpi ne, %select_n3A_30, %ne3A_42 : i32
    %convert_element_type3A_44 = arith.extui %ne3A_43 : i1 to i32
    %cond3A_45 = arith.constant 0 : i32
    %cond3A_46 = arith.cmpi ne, %convert_element_type3A_44, %cond3A_45 : i32
    scf.if %cond3A_46 {
      %sub3A_56 = arith.constant 1 : i32
      %sub3A_57 = arith.subi %select_n3A_30, %sub3A_56 : i32
      %mul3A_58 = arith.constant 1152 : i32
      %mul3A_59 = arith.muli %sub3A_57, %mul3A_58 : i32
      %add3A_60 = arith.constant 256 : i32
      %add3A_61 = arith.addi %add3A_60, %mul3A_59 : i32
      %min3A = arith.constant 7040 : i32
      %min3A_62 = arith.minsi %add3A_61, %min3A : i32
      %multiple_of3A_63 = tpu.assume_multiple %min3A_62, 8 : i32
      %run_scoped3A = arith.constant 0 : i32
      "tpu.region"() ({
        %run_scoped3A_72 = tpu.sem_alloc : memref<!tpu.dma_semaphore, #tpu.memory_space<semaphore_mem>>
        %dma_start3A = tpu.memref_bitcast %arg3 : memref<4x8192xi8, #tpu.memory_space<hbm>> -> memref<1x8192xi32, #tpu.memory_space<hbm>>
        %dma_start3A_73 = tpu.memref_slice %dma_start3A[%run_scoped3A, %multiple_of3A_63] : memref<1x8192xi32, #tpu.memory_space<hbm>> -> memref<1x1152xi32, #tpu.memory_space<hbm>>
        %dma_start3A_74 = tpu.memref_squeeze %dma_start3A_73 : memref<1x1152xi32, #tpu.memory_space<hbm>> -> memref<1152xi32, #tpu.memory_space<hbm>>
        %dma_start3A_75 = tpu.memref_bitcast %arg3 : memref<4x8192xi8, #tpu.memory_space<hbm>> -> memref<1x8192xi32, #tpu.memory_space<hbm>>
        %dma_start3A_76 = tpu.memref_slice %dma_start3A_75[%run_scoped3A, %multiple_of3A_63] : memref<1x8192xi32, #tpu.memory_space<hbm>> -> memref<1x1152xi32, #tpu.memory_space<hbm>>
        %dma_start3A_77 = tpu.memref_squeeze %dma_start3A_76 : memref<1x1152xi32, #tpu.memory_space<hbm>> -> memref<1152xi32, #tpu.memory_space<hbm>>
        tpu.enqueue_dma source(%dma_start3A_77 : memref<1152xi32, #tpu.memory_space<hbm>>) target(%arg5 : memref<1152xi32, #tpu.memory_space<vmem>>) target_semaphore(%run_scoped3A_72 : memref<!tpu.dma_semaphore, #tpu.memory_space<semaphore_mem>>)
        %dma_wait3A = tpu.memref_bitcast %arg3 : memref<4x8192xi8, #tpu.memory_space<hbm>> -> memref<1x8192xi32, #tpu.memory_space<hbm>>
        %dma_wait3A_78 = tpu.memref_slice %dma_wait3A[%run_scoped3A, %multiple_of3A_63] : memref<1x8192xi32, #tpu.memory_space<hbm>> -> memref<1x1152xi32, #tpu.memory_space<hbm>>
        %dma_wait3A_79 = tpu.memref_squeeze %dma_wait3A_78 : memref<1x1152xi32, #tpu.memory_space<hbm>> -> memref<1152xi32, #tpu.memory_space<hbm>>
        %dma_wait3A_80 = tpu.memref_bitcast %arg3 : memref<4x8192xi8, #tpu.memory_space<hbm>> -> memref<1x8192xi32, #tpu.memory_space<hbm>>
        %dma_wait3A_81 = tpu.memref_slice %dma_wait3A_80[%run_scoped3A, %multiple_of3A_63] : memref<1x8192xi32, #tpu.memory_space<hbm>> -> memref<1x1152xi32, #tpu.memory_space<hbm>>
        %dma_wait3A_82 = tpu.memref_squeeze %dma_wait3A_81 : memref<1x1152xi32, #tpu.memory_space<hbm>> -> memref<1152xi32, #tpu.memory_space<hbm>>
        tpu.wait_dma2 semaphore(%run_scoped3A_72 : memref<!tpu.dma_semaphore, #tpu.memory_space<semaphore_mem>>) src(%dma_wait3A_82 : memref<1152xi32, #tpu.memory_space<hbm>>) dst(%arg5 : memref<1152xi32, #tpu.memory_space<vmem>>)
        tpu.yield
      }) : () -> ()
      %scan3A = arith.constant 0 : i32
      %scan3A_64 = arith.constant 9 : i32
      %scan3A_65 = arith.addi %scan3A, %scan3A_64 : i32
      %scan3A_66 = arith.constant 1 : i32
      %scan3A_67 = scf.for %scan3A_72 = %scan3A to %scan3A_65 step %scan3A_66 iter_args(%scan3A_73 = %broadcast_in_dim3A_36) -> (vector<16xi32>)  : i32 {
        %mul3A_74 = arith.constant 128 : i32
        %mul3A_75 = arith.muli %scan3A_72, %mul3A_74 : i32
        %add3A_76 = arith.constant 0 : i32
        %add3A_77 = arith.addi %mul3A_75, %add3A_76 : i32
        %get3A_78 = arith.index_cast %add3A_77 : i32 to index
        %get3A_79 = tpu.vector_load %arg5[%get3A_78] {strides = array<i32>} : memref<1152xi32, #tpu.memory_space<vmem>>, vector<16xi32>,
        %get3A_80 = vector.shape_cast %get3A_79 : vector<16xi32> to vector<16xi32>
        %and3A_81 = arith.andi %get3A_80, %shift_left3A : vector<16xi32>
        %ne3A_82 = arith.constant 0 : i32
        %ne3A_83 = vector.broadcast %ne3A_82 : i32 to vector<16xi32>
        %ne3A_84 = arith.cmpi ne, %and3A_81, %ne3A_83 : vector<16xi32>
        %add3A_85 = arith.addi %multiple_of3A_63, %add3A_77 : i32
        %add3A_86 = vector.broadcast %add3A_85 : i32 to vector<16xi32>
        %add3A_87 = arith.addi %iota3A, %add3A_86 : vector<16xi32>
        %jit3A_88 = arith.constant 1073741824 : i32
        %broadcast_in_dim3A_89 = vector.broadcast %jit3A_88 : i32 to vector<16xi32>
        %select_n3A_90 = arith.select %ne3A_84, %add3A_87, %broadcast_in_dim3A_89 : vector<16xi1>, vector<16xi32>
        %min3A_91 = arith.minsi %scan3A_73, %select_n3A_90 : vector<16xi32>
        %add3A_92 = arith.constant 16 : i32
        %add3A_93 = arith.addi %mul3A_75, %add3A_92 : i32
        %get3A_94 = arith.index_cast %add3A_93 : i32 to index
        %get3A_95 = tpu.vector_load %arg5[%get3A_94] {strides = array<i32>} : memref<1152xi32, #tpu.memory_space<vmem>>, vector<16xi32>,
        %get3A_96 = vector.shape_cast %get3A_95 : vector<16xi32> to vector<16xi32>
        %and3A_97 = arith.andi %get3A_96, %shift_left3A : vector<16xi32>
        %ne3A_98 = arith.constant 0 : i32
        %ne3A_99 = vector.broadcast %ne3A_98 : i32 to vector<16xi32>
        %ne3A_100 = arith.cmpi ne, %and3A_97, %ne3A_99 : vector<16xi32>
        %add3A_101 = arith.addi %multiple_of3A_63, %add3A_93 : i32
        %add3A_102 = vector.broadcast %add3A_101 : i32 to vector<16xi32>
        %add3A_103 = arith.addi %iota3A, %add3A_102 : vector<16xi32>
        %jit3A_104 = arith.constant 1073741824 : i32
        %broadcast_in_dim3A_105 = vector.broadcast %jit3A_104 : i32 to vector<16xi32>
        %select_n3A_106 = arith.select %ne3A_100, %add3A_103, %broadcast_in_dim3A_105 : vector<16xi1>, vector<16xi32>
        %min3A_107 = arith.minsi %min3A_91, %select_n3A_106 : vector<16xi32>
        %add3A_108 = arith.constant 32 : i32
        %add3A_109 = arith.addi %mul3A_75, %add3A_108 : i32
        %get3A_110 = arith.index_cast %add3A_109 : i32 to index
        %get3A_111 = tpu.vector_load %arg5[%get3A_110] {strides = array<i32>} : memref<1152xi32, #tpu.memory_space<vmem>>, vector<16xi32>,
        %get3A_112 = vector.shape_cast %get3A_111 : vector<16xi32> to vector<16xi32>
        %and3A_113 = arith.andi %get3A_112, %shift_left3A : vector<16xi32>
        %ne3A_114 = arith.constant 0 : i32
        %ne3A_115 = vector.broadcast %ne3A_114 : i32 to vector<16xi32>
        %ne3A_116 = arith.cmpi ne, %and3A_113, %ne3A_115 : vector<16xi32>
        %add3A_117 = arith.addi %multiple_of3A_63, %add3A_109 : i32
        %add3A_118 = vector.broadcast %add3A_117 : i32 to vector<16xi32>
        %add3A_119 = arith.addi %iota3A, %add3A_118 : vector<16xi32>
        %jit3A_120 = arith.constant 1073741824 : i32
        %broadcast_in_dim3A_121 = vector.broadcast %jit3A_120 : i32 to vector<16xi32>
        %select_n3A_122 = arith.select %ne3A_116, %add3A_119, %broadcast_in_dim3A_121 : vector<16xi1>, vector<16xi32>
        %min3A_123 = arith.minsi %min3A_107, %select_n3A_122 : vector<16xi32>
        %add3A_124 = arith.constant 48 : i32
        %add3A_125 = arith.addi %mul3A_75, %add3A_124 : i32
        %get3A_126 = arith.index_cast %add3A_125 : i32 to index
        %get3A_127 = tpu.vector_load %arg5[%get3A_126] {strides = array<i32>} : memref<1152xi32, #tpu.memory_space<vmem>>, vector<16xi32>,
        %get3A_128 = vector.shape_cast %get3A_127 : vector<16xi32> to vector<16xi32>
        %and3A_129 = arith.andi %get3A_128, %shift_left3A : vector<16xi32>
        %ne3A_130 = arith.constant 0 : i32
        %ne3A_131 = vector.broadcast %ne3A_130 : i32 to vector<16xi32>
        %ne3A_132 = arith.cmpi ne, %and3A_129, %ne3A_131 : vector<16xi32>
        %add3A_133 = arith.addi %multiple_of3A_63, %add3A_125 : i32
        %add3A_134 = vector.broadcast %add3A_133 : i32 to vector<16xi32>
        %add3A_135 = arith.addi %iota3A, %add3A_134 : vector<16xi32>
        %jit3A_136 = arith.constant 1073741824 : i32
        %broadcast_in_dim3A_137 = vector.broadcast %jit3A_136 : i32 to vector<16xi32>
        %select_n3A_138 = arith.select %ne3A_132, %add3A_135, %broadcast_in_dim3A_137 : vector<16xi1>, vector<16xi32>
        %min3A_139 = arith.minsi %min3A_123, %select_n3A_138 : vector<16xi32>
        %add3A_140 = arith.constant 64 : i32
        %add3A_141 = arith.addi %mul3A_75, %add3A_140 : i32
        %get3A_142 = arith.index_cast %add3A_141 : i32 to index
        %get3A_143 = tpu.vector_load %arg5[%get3A_142] {strides = array<i32>} : memref<1152xi32, #tpu.memory_space<vmem>>, vector<16xi32>,
        %get3A_144 = vector.shape_cast %get3A_143 : vector<16xi32> to vector<16xi32>
        %and3A_145 = arith.andi %get3A_144, %shift_left3A : vector<16xi32>
        %ne3A_146 = arith.constant 0 : i32
        %ne3A_147 = vector.broadcast %ne3A_146 : i32 to vector<16xi32>
        %ne3A_148 = arith.cmpi ne, %and3A_145, %ne3A_147 : vector<16xi32>
        %add3A_149 = arith.addi %multiple_of3A_63, %add3A_141 : i32
        %add3A_150 = vector.broadcast %add3A_149 : i32 to vector<16xi32>
        %add3A_151 = arith.addi %iota3A, %add3A_150 : vector<16xi32>
        %jit3A_152 = arith.constant 1073741824 : i32
        %broadcast_in_dim3A_153 = vector.broadcast %jit3A_152 : i32 to vector<16xi32>
        %select_n3A_154 = arith.select %ne3A_148, %add3A_151, %broadcast_in_dim3A_153 : vector<16xi1>, vector<16xi32>
        %min3A_155 = arith.minsi %min3A_139, %select_n3A_154 : vector<16xi32>
        %add3A_156 = arith.constant 80 : i32
        %add3A_157 = arith.addi %mul3A_75, %add3A_156 : i32
        %get3A_158 = arith.index_cast %add3A_157 : i32 to index
        %get3A_159 = tpu.vector_load %arg5[%get3A_158] {strides = array<i32>} : memref<1152xi32, #tpu.memory_space<vmem>>, vector<16xi32>,
        %get3A_160 = vector.shape_cast %get3A_159 : vector<16xi32> to vector<16xi32>
        %and3A_161 = arith.andi %get3A_160, %shift_left3A : vector<16xi32>
        %ne3A_162 = arith.constant 0 : i32
        %ne3A_163 = vector.broadcast %ne3A_162 : i32 to vector<16xi32>
        %ne3A_164 = arith.cmpi ne, %and3A_161, %ne3A_163 : vector<16xi32>
        %add3A_165 = arith.addi %multiple_of3A_63, %add3A_157 : i32
        %add3A_166 = vector.broadcast %add3A_165 : i32 to vector<16xi32>
        %add3A_167 = arith.addi %iota3A, %add3A_166 : vector<16xi32>
        %jit3A_168 = arith.constant 1073741824 : i32
        %broadcast_in_dim3A_169 = vector.broadcast %jit3A_168 : i32 to vector<16xi32>
        %select_n3A_170 = arith.select %ne3A_164, %add3A_167, %broadcast_in_dim3A_169 : vector<16xi1>, vector<16xi32>
        %min3A_171 = arith.minsi %min3A_155, %select_n3A_170 : vector<16xi32>
        %add3A_172 = arith.constant 96 : i32
        %add3A_173 = arith.addi %mul3A_75, %add3A_172 : i32
        %get3A_174 = arith.index_cast %add3A_173 : i32 to index
        %get3A_175 = tpu.vector_load %arg5[%get3A_174] {strides = array<i32>} : memref<1152xi32, #tpu.memory_space<vmem>>, vector<16xi32>,
        %get3A_176 = vector.shape_cast %get3A_175 : vector<16xi32> to vector<16xi32>
        %and3A_177 = arith.andi %get3A_176, %shift_left3A : vector<16xi32>
        %ne3A_178 = arith.constant 0 : i32
        %ne3A_179 = vector.broadcast %ne3A_178 : i32 to vector<16xi32>
        %ne3A_180 = arith.cmpi ne, %and3A_177, %ne3A_179 : vector<16xi32>
        %add3A_181 = arith.addi %multiple_of3A_63, %add3A_173 : i32
        %add3A_182 = vector.broadcast %add3A_181 : i32 to vector<16xi32>
        %add3A_183 = arith.addi %iota3A, %add3A_182 : vector<16xi32>
        %jit3A_184 = arith.constant 1073741824 : i32
        %broadcast_in_dim3A_185 = vector.broadcast %jit3A_184 : i32 to vector<16xi32>
        %select_n3A_186 = arith.select %ne3A_180, %add3A_183, %broadcast_in_dim3A_185 : vector<16xi1>, vector<16xi32>
        %min3A_187 = arith.minsi %min3A_171, %select_n3A_186 : vector<16xi32>
        %add3A_188 = arith.constant 112 : i32
        %add3A_189 = arith.addi %mul3A_75, %add3A_188 : i32
        %get3A_190 = arith.index_cast %add3A_189 : i32 to index
        %get3A_191 = tpu.vector_load %arg5[%get3A_190] {strides = array<i32>} : memref<1152xi32, #tpu.memory_space<vmem>>, vector<16xi32>,
        %get3A_192 = vector.shape_cast %get3A_191 : vector<16xi32> to vector<16xi32>
        %and3A_193 = arith.andi %get3A_192, %shift_left3A : vector<16xi32>
        %ne3A_194 = arith.constant 0 : i32
        %ne3A_195 = vector.broadcast %ne3A_194 : i32 to vector<16xi32>
        %ne3A_196 = arith.cmpi ne, %and3A_193, %ne3A_195 : vector<16xi32>
        %add3A_197 = arith.addi %multiple_of3A_63, %add3A_189 : i32
        %add3A_198 = vector.broadcast %add3A_197 : i32 to vector<16xi32>
        %add3A_199 = arith.addi %iota3A, %add3A_198 : vector<16xi32>
        %jit3A_200 = arith.constant 1073741824 : i32
        %broadcast_in_dim3A_201 = vector.broadcast %jit3A_200 : i32 to vector<16xi32>
        %select_n3A_202 = arith.select %ne3A_196, %add3A_199, %broadcast_in_dim3A_201 : vector<16xi1>, vector<16xi32>
        %min3A_203 = arith.minsi %min3A_187, %select_n3A_202 : vector<16xi32>
        scf.yield %min3A_203 : vector<16xi32>
      }
      %scan3A_68 = arith.constant 9 : i32
      %swap3A = arith.constant 0 : index
      %swap3A_69 = tpu.vector_load %arg6[%swap3A] {strides = array<i32>} : memref<16xi32, #tpu.memory_space<vmem>>, vector<16xi32>,
      %swap3A_70 = vector.shape_cast %swap3A_69 : vector<16xi32> to vector<16xi32>
      %swap3A_71 = vector.shape_cast %scan3A_67 : vector<16xi32> to vector<16xi32>
      tpu.vector_store %arg6[%swap3A], %swap3A_71 {strides = array<i32>} : memref<16xi32, #tpu.memory_space<vmem>>, vector<16xi32>,
      "tpu.region"() ({
        %run_scoped3A_72 = tpu.sem_alloc : memref<!tpu.dma_semaphore, #tpu.memory_space<semaphore_mem>>
        %dma_start3A = tpu.memref_slice %arg8[%multiple_of3A] : memref<256xi32, #tpu.memory_space<vmem_shared>> -> memref<16xi32, #tpu.memory_space<vmem_shared>>
        %dma_start3A_73 = tpu.memref_slice %arg8[%multiple_of3A] : memref<256xi32, #tpu.memory_space<vmem_shared>> -> memref<16xi32, #tpu.memory_space<vmem_shared>>
        tpu.enqueue_dma source(%arg6 : memref<16xi32, #tpu.memory_space<vmem>>) target(%dma_start3A_73 : memref<16xi32, #tpu.memory_space<vmem_shared>>) target_semaphore(%run_scoped3A_72 : memref<!tpu.dma_semaphore, #tpu.memory_space<semaphore_mem>>)
        %dma_wait3A = tpu.memref_slice %arg8[%multiple_of3A] : memref<256xi32, #tpu.memory_space<vmem_shared>> -> memref<16xi32, #tpu.memory_space<vmem_shared>>
        %dma_wait3A_74 = tpu.memref_slice %arg8[%multiple_of3A] : memref<256xi32, #tpu.memory_space<vmem_shared>> -> memref<16xi32, #tpu.memory_space<vmem_shared>>
        tpu.wait_dma2 semaphore(%run_scoped3A_72 : memref<!tpu.dma_semaphore, #tpu.memory_space<semaphore_mem>>) src(%arg6 : memref<16xi32, #tpu.memory_space<vmem>>) dst(%dma_wait3A_74 : memref<16xi32, #tpu.memory_space<vmem_shared>>)
        tpu.yield
      }) : () -> ()
    } else {
    }
    %barrier3A = arith.constant 0 : index
    tpu.barrier barrier_id(%barrier3A)
    %eq3A_47 = arith.constant 0 : i32
    %eq3A_48 = arith.cmpi eq, %select_n3A_30, %eq3A_47 : i32
    %get3A = arith.constant 0 : i32
    %get3A_49 = arith.index_cast %get3A : i32 to index
    %get3A_50 = memref.load %arg9[%get3A_49] : memref<1xi32, #tpu.memory_space<smem>>
    %ge3A = arith.constant 1073741824 : i32
    %ge3A_51 = arith.cmpi sge, %get3A_50, %ge3A : i32
    %and3A_52 = arith.andi %eq3A_48, %ge3A_51 : i1
    %convert_element_type3A_53 = arith.extui %and3A_52 : i1 to i32
    %cond3A_54 = arith.constant 0 : i32
    %cond3A_55 = arith.cmpi ne, %convert_element_type3A_53, %cond3A_54 : i32
    scf.if %cond3A_55 {
      %jit3A_56 = arith.constant 8 : i32
      %div3A_57 = arith.divsi %arg1, %jit3A_56 : i32
      %sign3A_58 = arith.constant 0 : i32
      %sign3A_59 = arith.cmpi sgt, %arg1, %sign3A_58 : i32
      %sign3A_60 = arith.extui %sign3A_59 : i1 to i32
      %sign3A_61 = arith.constant 0 : i32
      %sign3A_62 = arith.cmpi slt, %arg1, %sign3A_61 : i32
      %sign3A_63 = arith.extui %sign3A_62 : i1 to i32
      %sign3A_64 = arith.subi %sign3A_60, %sign3A_63 : i32
      %sign3A_65 = arith.constant 0 : i32
      %sign3A_66 = arith.cmpi sgt, %jit3A_56, %sign3A_65 : i32
      %sign3A_67 = arith.extui %sign3A_66 : i1 to i32
      %sign3A_68 = arith.constant 0 : i32
      %sign3A_69 = arith.cmpi slt, %jit3A_56, %sign3A_68 : i32
      %sign3A_70 = arith.extui %sign3A_69 : i1 to i32
      %sign3A_71 = arith.subi %sign3A_67, %sign3A_70 : i32
      %ne3A_72 = arith.cmpi ne, %sign3A_64, %sign3A_71 : i32
      %rem3A_73 = arith.remsi %arg1, %jit3A_56 : i32
      %ne3A_74 = arith.constant 0 : i32
      %ne3A_75 = arith.cmpi ne, %rem3A_73, %ne3A_74 : i32
      %and3A_76 = arith.andi %ne3A_72, %ne3A_75 : i1
      %sub3A_77 = arith.constant 1 : i32
      %sub3A_78 = arith.subi %div3A_57, %sub3A_77 : i32
      %select_n3A_79 = arith.select %and3A_76, %sub3A_78, %div3A_57 : i32
      %mul3A_80 = arith.constant 128 : i32
      %mul3A_81 = arith.muli %select_n3A_79, %mul3A_80 : i32
      %multiple_of3A_82 = tpu.assume_multiple %mul3A_81, 128 : i32
      "tpu.region"() ({
        %run_scoped3A = tpu.sem_alloc : memref<!tpu.dma_semaphore, #tpu.memory_space<semaphore_mem>>
        %dma_start3A = tpu.memref_slice %arg8[%multiple_of3A_82] : memref<256xi32, #tpu.memory_space<vmem_shared>> -> memref<128xi32, #tpu.memory_space<vmem_shared>>
        %dma_start3A_184 = tpu.memref_slice %arg8[%multiple_of3A_82] : memref<256xi32, #tpu.memory_space<vmem_shared>> -> memref<128xi32, #tpu.memory_space<vmem_shared>>
        tpu.enqueue_dma source(%dma_start3A_184 : memref<128xi32, #tpu.memory_space<vmem_shared>>) target(%arg7 : memref<128xi32, #tpu.memory_space<vmem>>) target_semaphore(%run_scoped3A : memref<!tpu.dma_semaphore, #tpu.memory_space<semaphore_mem>>)
        %dma_wait3A = tpu.memref_slice %arg8[%multiple_of3A_82] : memref<256xi32, #tpu.memory_space<vmem_shared>> -> memref<128xi32, #tpu.memory_space<vmem_shared>>
        %dma_wait3A_185 = tpu.memref_slice %arg8[%multiple_of3A_82] : memref<256xi32, #tpu.memory_space<vmem_shared>> -> memref<128xi32, #tpu.memory_space<vmem_shared>>
        tpu.wait_dma2 semaphore(%run_scoped3A : memref<!tpu.dma_semaphore, #tpu.memory_space<semaphore_mem>>) src(%dma_wait3A_185 : memref<128xi32, #tpu.memory_space<vmem_shared>>) dst(%arg7 : memref<128xi32, #tpu.memory_space<vmem>>)
        tpu.yield
      }) : () -> ()
      %get3A_83 = arith.constant 0 : index
      %get3A_84 = tpu.vector_load %arg7[%get3A_83] {strides = array<i32>} : memref<128xi32, #tpu.memory_space<vmem>>, vector<16xi32>,
      %get3A_85 = vector.shape_cast %get3A_84 : vector<16xi32> to vector<16xi32>
      %get3A_86 = arith.constant 16 : index
      %get3A_87 = tpu.vector_load %arg7[%get3A_86] {strides = array<i32>} : memref<128xi32, #tpu.memory_space<vmem>>, vector<16xi32>,
      %get3A_88 = vector.shape_cast %get3A_87 : vector<16xi32> to vector<16xi32>
      %min3A = arith.minsi %get3A_85, %get3A_88 : vector<16xi32>
      %get3A_89 = arith.constant 32 : index
      %get3A_90 = tpu.vector_load %arg7[%get3A_89] {strides = array<i32>} : memref<128xi32, #tpu.memory_space<vmem>>, vector<16xi32>,
      %get3A_91 = vector.shape_cast %get3A_90 : vector<16xi32> to vector<16xi32>
      %min3A_92 = arith.minsi %min3A, %get3A_91 : vector<16xi32>
      %get3A_93 = arith.constant 48 : index
      %get3A_94 = tpu.vector_load %arg7[%get3A_93] {strides = array<i32>} : memref<128xi32, #tpu.memory_space<vmem>>, vector<16xi32>,
      %get3A_95 = vector.shape_cast %get3A_94 : vector<16xi32> to vector<16xi32>
      %min3A_96 = arith.minsi %min3A_92, %get3A_95 : vector<16xi32>
      %get3A_97 = arith.constant 64 : index
      %get3A_98 = tpu.vector_load %arg7[%get3A_97] {strides = array<i32>} : memref<128xi32, #tpu.memory_space<vmem>>, vector<16xi32>,
      %get3A_99 = vector.shape_cast %get3A_98 : vector<16xi32> to vector<16xi32>
      %min3A_100 = arith.minsi %min3A_96, %get3A_99 : vector<16xi32>
      %get3A_101 = arith.constant 80 : index
      %get3A_102 = tpu.vector_load %arg7[%get3A_101] {strides = array<i32>} : memref<128xi32, #tpu.memory_space<vmem>>, vector<16xi32>,
      %get3A_103 = vector.shape_cast %get3A_102 : vector<16xi32> to vector<16xi32>
      %min3A_104 = arith.minsi %min3A_100, %get3A_103 : vector<16xi32>
      %get3A_105 = arith.constant 96 : index
      %get3A_106 = tpu.vector_load %arg7[%get3A_105] {strides = array<i32>} : memref<128xi32, #tpu.memory_space<vmem>>, vector<16xi32>,
      %get3A_107 = vector.shape_cast %get3A_106 : vector<16xi32> to vector<16xi32>
      %min3A_108 = arith.minsi %min3A_104, %get3A_107 : vector<16xi32>
      %get3A_109 = arith.constant 112 : index
      %get3A_110 = tpu.vector_load %arg7[%get3A_109] {strides = array<i32>} : memref<128xi32, #tpu.memory_space<vmem>>, vector<16xi32>,
      %get3A_111 = vector.shape_cast %get3A_110 : vector<16xi32> to vector<16xi32>
      %min3A_112 = arith.minsi %min3A_108, %get3A_111 : vector<16xi32>
      %add3A_113 = arith.constant 8 : i32
      %add3A_114 = vector.broadcast %add3A_113 : i32 to vector<16xi32>
      %add3A_115 = arith.addi %iota3A, %add3A_114 : vector<16xi32>
      %broadcast_in_dim3A_116 = arith.constant 16 : i32
      %broadcast_in_dim3A_117 = vector.broadcast %broadcast_in_dim3A_116 : i32 to vector<16xi32>
      %rem3A_118 = arith.remsi %add3A_115, %broadcast_in_dim3A_117 : vector<16xi32>
      %lt3A_119 = arith.constant 0 : i32
      %lt3A_120 = vector.broadcast %lt3A_119 : i32 to vector<16xi32>
      %lt3A_121 = arith.cmpi slt, %rem3A_118, %lt3A_120 : vector<16xi32>
      %add3A_122 = arith.constant 16 : i32
      %add3A_123 = vector.broadcast %add3A_122 : i32 to vector<16xi32>
      %add3A_124 = arith.addi %rem3A_118, %add3A_123 : vector<16xi32>
      %select_n3A_125 = arith.select %lt3A_121, %add3A_124, %rem3A_118 : vector<16xi1>, vector<16xi32>
      %broadcast_in_dim3A_126 = vector.shape_cast %select_n3A_125 : vector<16xi32> to vector<16x1xi32>
      %gather3A = vector.shape_cast %broadcast_in_dim3A_126 : vector<16x1xi32> to vector<16xi32>
      %gather3A_127 = tpu.dynamic_gather %min3A_112[%gather3A] in [0] : vector<16xi32>, vector<16xi32> -> vector<16xi32>
      %min3A_128 = arith.minsi %min3A_112, %gather3A_127 : vector<16xi32>
      %add3A_129 = arith.constant 4 : i32
      %add3A_130 = vector.broadcast %add3A_129 : i32 to vector<16xi32>
      %add3A_131 = arith.addi %iota3A, %add3A_130 : vector<16xi32>
      %broadcast_in_dim3A_132 = arith.constant 16 : i32
      %broadcast_in_dim3A_133 = vector.broadcast %broadcast_in_dim3A_132 : i32 to vector<16xi32>
      %rem3A_134 = arith.remsi %add3A_131, %broadcast_in_dim3A_133 : vector<16xi32>
      %lt3A_135 = arith.constant 0 : i32
      %lt3A_136 = vector.broadcast %lt3A_135 : i32 to vector<16xi32>
      %lt3A_137 = arith.cmpi slt, %rem3A_134, %lt3A_136 : vector<16xi32>
      %add3A_138 = arith.constant 16 : i32
      %add3A_139 = vector.broadcast %add3A_138 : i32 to vector<16xi32>
      %add3A_140 = arith.addi %rem3A_134, %add3A_139 : vector<16xi32>
      %select_n3A_141 = arith.select %lt3A_137, %add3A_140, %rem3A_134 : vector<16xi1>, vector<16xi32>
      %broadcast_in_dim3A_142 = vector.shape_cast %select_n3A_141 : vector<16xi32> to vector<16x1xi32>
      %gather3A_143 = vector.shape_cast %broadcast_in_dim3A_142 : vector<16x1xi32> to vector<16xi32>
      %gather3A_144 = tpu.dynamic_gather %min3A_128[%gather3A_143] in [0] : vector<16xi32>, vector<16xi32> -> vector<16xi32>
      %min3A_145 = arith.minsi %min3A_128, %gather3A_144 : vector<16xi32>
      %add3A_146 = arith.constant 2 : i32
      %add3A_147 = vector.broadcast %add3A_146 : i32 to vector<16xi32>
      %add3A_148 = arith.addi %iota3A, %add3A_147 : vector<16xi32>
      %broadcast_in_dim3A_149 = arith.constant 16 : i32
      %broadcast_in_dim3A_150 = vector.broadcast %broadcast_in_dim3A_149 : i32 to vector<16xi32>
      %rem3A_151 = arith.remsi %add3A_148, %broadcast_in_dim3A_150 : vector<16xi32>
      %lt3A_152 = arith.constant 0 : i32
      %lt3A_153 = vector.broadcast %lt3A_152 : i32 to vector<16xi32>
      %lt3A_154 = arith.cmpi slt, %rem3A_151, %lt3A_153 : vector<16xi32>
      %add3A_155 = arith.constant 16 : i32
      %add3A_156 = vector.broadcast %add3A_155 : i32 to vector<16xi32>
      %add3A_157 = arith.addi %rem3A_151, %add3A_156 : vector<16xi32>
      %select_n3A_158 = arith.select %lt3A_154, %add3A_157, %rem3A_151 : vector<16xi1>, vector<16xi32>
      %broadcast_in_dim3A_159 = vector.shape_cast %select_n3A_158 : vector<16xi32> to vector<16x1xi32>
      %gather3A_160 = vector.shape_cast %broadcast_in_dim3A_159 : vector<16x1xi32> to vector<16xi32>
      %gather3A_161 = tpu.dynamic_gather %min3A_145[%gather3A_160] in [0] : vector<16xi32>, vector<16xi32> -> vector<16xi32>
      %min3A_162 = arith.minsi %min3A_145, %gather3A_161 : vector<16xi32>
      %add3A_163 = arith.constant 1 : i32
      %add3A_164 = vector.broadcast %add3A_163 : i32 to vector<16xi32>
      %add3A_165 = arith.addi %iota3A, %add3A_164 : vector<16xi32>
      %broadcast_in_dim3A_166 = arith.constant 16 : i32
      %broadcast_in_dim3A_167 = vector.broadcast %broadcast_in_dim3A_166 : i32 to vector<16xi32>
      %rem3A_168 = arith.remsi %add3A_165, %broadcast_in_dim3A_167 : vector<16xi32>
      %lt3A_169 = arith.constant 0 : i32
      %lt3A_170 = vector.broadcast %lt3A_169 : i32 to vector<16xi32>
      %lt3A_171 = arith.cmpi slt, %rem3A_168, %lt3A_170 : vector<16xi32>
      %add3A_172 = arith.constant 16 : i32
      %add3A_173 = vector.broadcast %add3A_172 : i32 to vector<16xi32>
      %add3A_174 = arith.addi %rem3A_168, %add3A_173 : vector<16xi32>
      %select_n3A_175 = arith.select %lt3A_171, %add3A_174, %rem3A_168 : vector<16xi1>, vector<16xi32>
      %broadcast_in_dim3A_176 = vector.shape_cast %select_n3A_175 : vector<16xi32> to vector<16x1xi32>
      %gather3A_177 = vector.shape_cast %broadcast_in_dim3A_176 : vector<16x1xi32> to vector<16xi32>
      %gather3A_178 = tpu.dynamic_gather %min3A_162[%gather3A_177] in [0] : vector<16xi32>, vector<16xi32> -> vector<16xi32>
      %min3A_179 = arith.minsi %min3A_162, %gather3A_178 : vector<16xi32>
      %slice3A = vector.extract_strided_slice %min3A_179 {offsets = [0], sizes = [1], strides = [1]} : vector<16xi32> to vector<1xi32>
      %squeeze3A = vector.extract %slice3A[0] : i32 from vector<1xi32>
      %lt3A_180 = arith.constant 1073741824 : i32
      %lt3A_181 = arith.cmpi slt, %squeeze3A, %lt3A_180 : i32
      %jit3A_182 = arith.constant 0 : i32
      %select_n3A_183 = arith.select %lt3A_181, %squeeze3A, %jit3A_182 : i32
      "tpu.region"() ({
        %run_scoped3A = tpu.sem_alloc : memref<!tpu.dma_semaphore, #tpu.memory_space<semaphore_mem>>
        %dma_start3A = arith.constant 0 : i32
        %dma_start3A_184 = tpu.memref_slice %arg4[%add3A, %dma_start3A] : memref<4x2048xf32, #tpu.memory_space<hbm>> -> memref<1x2048xf32, #tpu.memory_space<hbm>>
        %dma_start3A_185 = tpu.memref_squeeze %dma_start3A_184 : memref<1x2048xf32, #tpu.memory_space<hbm>> -> memref<2048xf32, #tpu.memory_space<hbm>>
        %dma_start3A_186 = arith.constant 0 : i32
        %dma_start3A_187 = tpu.memref_slice %arg2[%add3A, %select_n3A_183, %dma_start3A_186] : memref<4x8192x2048xf32, #tpu.memory_space<hbm>> -> memref<1x1x2048xf32, #tpu.memory_space<hbm>>
        %dma_start3A_188 = tpu.memref_squeeze %dma_start3A_187 : memref<1x1x2048xf32, #tpu.memory_space<hbm>> -> memref<2048xf32, #tpu.memory_space<hbm>>
        tpu.enqueue_dma source(%dma_start3A_188 : memref<2048xf32, #tpu.memory_space<hbm>>) target(%dma_start3A_185 : memref<2048xf32, #tpu.memory_space<hbm>>) target_semaphore(%run_scoped3A : memref<!tpu.dma_semaphore, #tpu.memory_space<semaphore_mem>>)
        %dma_wait3A = arith.constant 0 : i32
        %dma_wait3A_189 = tpu.memref_slice %arg4[%add3A, %dma_wait3A] : memref<4x2048xf32, #tpu.memory_space<hbm>> -> memref<1x2048xf32, #tpu.memory_space<hbm>>
        %dma_wait3A_190 = tpu.memref_squeeze %dma_wait3A_189 : memref<1x2048xf32, #tpu.memory_space<hbm>> -> memref<2048xf32, #tpu.memory_space<hbm>>
        %dma_wait3A_191 = arith.constant 0 : i32
        %dma_wait3A_192 = tpu.memref_slice %arg2[%add3A, %select_n3A_183, %dma_wait3A_191] : memref<4x8192x2048xf32, #tpu.memory_space<hbm>> -> memref<1x1x2048xf32, #tpu.memory_space<hbm>>
        %dma_wait3A_193 = tpu.memref_squeeze %dma_wait3A_192 : memref<1x1x2048xf32, #tpu.memory_space<hbm>> -> memref<2048xf32, #tpu.memory_space<hbm>>
        tpu.wait_dma2 semaphore(%run_scoped3A : memref<!tpu.dma_semaphore, #tpu.memory_space<semaphore_mem>>) src(%dma_wait3A_193 : memref<2048xf32, #tpu.memory_space<hbm>>) dst(%dma_wait3A_190 : memref<2048xf32, #tpu.memory_space<hbm>>)
        tpu.yield
      }) : () -> ()
    } else {
    }
    return
  }
}

</mosaic_0001>

<sc_bundles>
// kernel: kernel.3.cloned.1.call-start
scs
__scs_entry_jumppad:
0x0: {  	(pc) =	sbr.rel $0x88, $3  }
0x1: {  	(tag) =	ssettag $0x0;
	lr =	simm.s32 $0x1  }
0x2: {  	[smem:$0x3F9F] =	sst lr;
	_ =	strace $0xD0000000  }
0x3: {  	_ = 	snop  }
0x4: {  	_ = 	snop  }
0x5: {  	_ = 	snop  }
0x6: {  	_ = 	snop  }
0x7: {  	_ = 	snop  }
__scs_overlays_trampoline_lowered:
0x8: {  	[smem:$0x3FAE] =	sst s0  }
0x9: {  	[smem:$0x3FAF] =	sst s1  }
0xa: {  	[smem:$0x3FB0] =	sst s2  }
0xb: {  	[smem:$0x3FB1] =	sst s3  }
0xc: {  	[smem:$0x3FB2] =	sst s4  }
0xd: {  	[smem:$0x3FB3] =	sst s5  }
0xe: {  	[smem:$0x3FB4] =	sst s6  }
0xf: {  	[smem:$0x3FB5] =	sst s7  }
0x10: {  	[smem:$0x3FB6] =	sst s8  }
0x11: {  	[smem:$0x3FB7] =	sst s9;
	s0 =	simm.s32 @!p0 $0x0  }
0x12: {  	s1 =	sld [smem:$0x3F9D];
	s0 =	simm.s32 @p0 $0x1  }
0x13: {  	[smem:$0x3FB8] =	sst s0;
	s0 =	simm.s32 @!p1 $0x0  }
0x14: {  	s2 =	sld [smem:$0x3F9C];
	s0 =	simm.s32 @p1 $0x1  }
0x15: {  	[smem:$0x3FB9] =	sst s0;
	s0 =	simm.s32 @!p2 $0x0  }
0x16: {  	s3 =	sld [smem:$0x3FDB];
	s0 =	simm.s32 @p2 $0x1  }
0x17: {  	s4 =	simm.s32 $0x1BF5;
	[smem:$0x3FBB] =	sst s0  }
0x18: {  	s0 =	sld [smem:$0x3F9E];
	_ =	swait.ge [sflag:s4], $0x0  }
0x19: {  	s7 =	sld [smem:$0x3F9F]  }
0x1a: {  	s8 =	sadd.s32 $0xFFFFE003, lr  }
0x1b: {  	s9 =	sadd.s32 $0xFFFFFEF7, lr;
	s5 =	simm.s32 $0xFFFFFFFF;
	p2 =	slt.u32 s8, $0xFFFFF086  }
0x1c: {  	p1 =	slt.u32 s9, $0xF7A;
	s5 =	simm.s32 @!p2 $0x0  }
0x1d: {  	s5 =	simm.s32 @p1 $0x1;
	p0 =	seq.s32 s7, s2  }
0x1e: {  	s7 =	smul.u32 @!p0 $0xF7A, s2;
	p2 =	seq.s32 @!p0 s5, $0x0  }
0x1f: {  	s9 =	smul.u32 $0xF7A, s1;
	s8 =	simm.s32 @!p0 $0x1BF5;
	p2 =	por !p2, p0  }
0x20: {  	[sflag:s8] =	ssyncset.s32 @!p0 $0xFFFFF086;
	s6 =	sadd.s32 @!p0 s3, s7;
	s7 =	simm.s32 @!p0 $0x108  }
0x21: {  	s3 =	sadd.s32 s3, s9;
	s6 =	sadd.s32 @!p0 $0x88, s6;
	s7 =	simm.s32 @p2 $0x1082  }
0x22: {  	[simem:s7], [sflag:s8] =	dma.local @!p0 [hbm:s6], $0xF7A  }
0x23: {  	s9 =	sor.u32 $0xD0000000, s2;
	s6 =	simm.s32 $0x108;
	_ =	swait.ge @!p0 [sflag:s8], $0x0  }
0x24: {  	s3 =	sadd.s32 $0x88, s3;
	s6 =	simm.s32 @!p1 $0x1082;
	[sflag:s4] =	ssyncset.s32 $0xFFFFF086  }
0x25: {  	[simem:s6], [sflag:s4] =	dma.local [hbm:s3], $0xF7A  }
0x26: {  	[smem:$0x3F9F] =	sst s1;
	(tag) =	ssettag s2;
	_ =	strace s9  }
0x27: {  	s1 =	sld [smem:$0x3FAF]  }
0x28: {  	s2 =	sld [smem:$0x3FB0]  }
0x29: {  	s4 =	sld [smem:$0x3FB2]  }
0x2a: {  	p0 =	seq.s32 s5, $0x0;
	s5 =	sld [smem:$0x3FB3]  }
0x2b: {  	s6 =	sld [smem:$0x3FB4]  }
0x2c: {  	s7 =	sld [smem:$0x3FB5]  }
0x2d: {  	s3 =	simm.s32 $0x108;
	s8 =	sld [smem:$0x3FB6]  }
0x2e: {  	s3 =	simm.s32 @!p0 $0x1082;
	s9 =	sld [smem:$0x3FB7]  }
0x2f: {  	lr =	sadd.s32 s0, s3;
	s0 =	sld [smem:$0x3FAE]  }
0x30: {  	s3 =	sld [smem:$0x3FB1]  }
0x31: {  	[smem:$0x3FBA] =	sst s10  }
0x32: {  	s10 =	sld [smem:$0x3FB8];
	_ =	sdelay $0x3  }
0x33: {  	p0 =	seq.s32 s10, $0x1;
	s10 =	sld [smem:$0x3FBA];
	_ =	sdelay $0x3  }
0x34: {  	[smem:$0x3FBA] =	sst s10  }
0x35: {  	s10 =	sld [smem:$0x3FB9];
	_ =	sdelay $0x3  }
0x36: {  	p1 =	seq.s32 s10, $0x1;
	s10 =	sld [smem:$0x3FBA];
	_ =	sdelay $0x3  }
0x37: {  	[smem:$0x3FBA] =	sst s10  }
0x38: {  	s10 =	sld [smem:$0x3FBB]  }
0x39: {  	_ = 	snop;
	(pc) =	sbr.ind lr, $3  }
0x3a: {  	_ = 	snop  }
0x3b: {  	_ = 	snop  }
0x3c: {  	p2 =	seq.s32 s10, $0x1;
	s10 =	sld [smem:$0x3FBA]  }
0x3d: {  	_ =	shalt  }
0x3e: {  	_ =	shalt  }
0x3f: {  	_ =	shalt  }
0x40: {  	_ =	shalt  }
0x41: {  	_ =	shalt  }
0x42: {  	_ =	shalt  }
0x43: {  	_ =	shalt  }
0x44: {  	_ =	shalt  }
0x45: {  	_ =	shalt  }
0x46: {  	_ =	shalt  }
0x47: {  	_ =	shalt  }
0x48: {  	_ =	shalt  }
0x49: {  	_ =	shalt  }
0x4a: {  	_ =	shalt  }
0x4b: {  	_ =	shalt  }
0x4c: {  	_ =	shalt  }
0x4d: {  	_ =	shalt  }
0x4e: {  	_ =	shalt  }
0x4f: {  	_ =	shalt  }
0x50: {  	_ =	shalt  }
0x51: {  	_ =	shalt  }
0x52: {  	_ =	shalt  }
0x53: {  	_ =	shalt  }
0x54: {  	_ =	shalt  }
0x55: {  	_ =	shalt  }
0x56: {  	_ =	shalt  }
0x57: {  	_ =	shalt  }
0x58: {  	_ =	shalt  }
0x59: {  	_ =	shalt  }
0x5a: {  	_ =	shalt  }
0x5b: {  	_ =	shalt  }
0x5c: {  	_ =	shalt  }
0x5d: {  	_ =	shalt  }
0x5e: {  	_ =	shalt  }
0x5f: {  	_ =	shalt  }
0x60: {  	_ =	shalt  }
0x61: {  	_ =	shalt  }
0x62: {  	_ =	shalt  }
0x63: {  	_ =	shalt  }
0x64: {  	_ =	shalt  }
0x65: {  	_ =	shalt  }
0x66: {  	_ =	shalt  }
0x67: {  	_ =	shalt  }
0x68: {  	_ =	shalt  }
0x69: {  	_ =	shalt  }
0x6a: {  	_ =	shalt  }
0x6b: {  	_ =	shalt  }
0x6c: {  	_ =	shalt  }
0x6d: {  	_ =	shalt  }
0x6e: {  	_ =	shalt  }
0x6f: {  	_ =	shalt  }
0x70: {  	_ =	shalt  }
0x71: {  	_ =	shalt  }
0x72: {  	_ =	shalt  }
0x73: {  	_ =	shalt  }
0x74: {  	_ =	shalt  }
0x75: {  	_ =	shalt  }
0x76: {  	_ =	shalt  }
0x77: {  	_ =	shalt  }
0x78: {  	_ =	shalt  }
0x79: {  	_ =	shalt  }
0x7a: {  	_ =	shalt  }
0x7b: {  	_ =	shalt  }
0x7c: {  	_ =	shalt  }
0x7d: {  	_ =	shalt  }
0x7e: {  	_ =	shalt  }
0x7f: {  	_ =	shalt  }
0x80: {  	_ =	shalt  }
0x81: {  	_ =	shalt  }
0x82: {  	_ =	shalt  }
0x83: {  	_ =	shalt  }
0x84: {  	_ =	shalt  }
0x85: {  	_ =	shalt  }
0x86: {  	_ =	shalt  }
0x87: {  	_ =	shalt  }
.Lfunc_end0:
.L_simem_size_0:
called_computation_lowered:
.L_overlay_start_0:
0x88: {  	s2 =	sld [smem:$0x3FD9]  }
0x89: {  	s3 =	sld [smem:$0x3FFE];
	_ =	sdelay $0x1  }
0x8a: {  	s1 =	srdreg.scid  }
0x8b: {  	s0 =	sand.u32 $0x1, s1  }
0x8c: {  	s17 =	sshll.u32 s0, $0xA;
	s2 =	sadd.s32 s3, s2  }
0x8d: {  	s2 =	sadd.s32 s2, s17  }
0x8e: {  	[smem:$0x3FC6] =	sst s2  }
0x8f: {  	_ = 	snop  }
0x90: {  	s2 =	sld [smem:$0x3FC9]  }
0x91: {  	s18 =	sld [smem:$0x3FD0];
	(tm) =	ssettm $0x1  }
0x92: {  	s4 =	sld [smem:$0x3FFB];
	_ =	sdelay $0x3  }
0x93: {  	_ =	strace s4  }
0x94: {  	s4 =	sld [smem:$0x3FFC];
	_ =	sdelay $0x3  }
0x95: {  	_ =	strace s4  }
0x96: {  	s4 =	sld [smem:$0x3FFD];
	_ =	sdelay $0x3  }
0x97: {  	_ =	strace s4  }
0x98: {  	_ =	strace $0x8FFFFFFF  }
0x99: {  	s19 =	sld [smem:$0x3FDB];
	_ =	sdelay $0x1  }
0x9a: {  	s5 =	simm.s32 $_scs_section_size  }
0x9b: {  	s6 =	simm.s32 $_size__tile_overlayer_lowered;
	s7 =	simm.s32 $_tile_overlayer_lowered  }
0x9c: {  	s22 =	simm.s32 $0x1BFF;
	s21 =	sshll.u32 s7, $0x1;
	s4 =	sadd.s32 s5, s19  }
0x9d: {  	s8 =	simm.s32 $0x0;
	s20 =	sshll.u32 s6, $0x1;
	s6 =	sadd.s32 s21, s4  }
0x9e: {  	[timem:s8], [sflag:s22] =	dma.local [hbm:s6], s20  }
0x9f: {  	_ =	swait.ge [sflag:s22], s20  }
0xa0: {  	s5 =	ssub.s32 $0x0, s20;
	[sflag:s22] =	ssyncset.done $0x0  }
0xa1: {  	[sflag:s22] =	ssyncadd.s32 s5;
	_ =	sdelay $0x1  }
0xa2: {  	s23 =	simm.s32 $0x1B8B  }
0xa3: {  	_ =	swait.ge [sflag:s23], $0x1  }
0xa4: {  	[sflag:s23] =	ssyncset.done $0x0  }
0xa5: {  	s25 =	simm.s32 $0x1B8E;
	s24 =	sld [smem:$0x3FFE];
	[sflag:s23] =	ssyncadd.s32 $0xFFFFFFFF  }
0xa6: {  	s26 =	simm.s32 $execute0_lowered;
	[smem:$0x3FD2] =	sst s25  }
0xa7: {  	s6 =	sshll.u32 s26, $0x1;
	_ =	strace $0x80000046;
	[dreg:$0x1] =	wrdreg $0xFFFFFFFF  }
0xa8: {  	s28 =	simm.s32 $_size_execute0_lowered;
	s4 =	sadd.s32 s4, s6;
	[dreg:$0x0] =	wrdreg $0x0  }
0xa9: {  	s6 =	sshll.u32 s28, $0x1;
	[dreg:$0x2] =	wrdreg s4  }
0xaa: {  	[dreg:$0x3] =	wrdreg s6  }
0xab: {  	[dreg:$0x4] =	wrdreg $0xC0  }
0xac: {  	_ =	task [dreg:s8], $0x5FFFF  }
0xad: {  	[dreg:$0x1] =	wrdreg $0xFFFFFFFF  }
0xae: {  	[dreg:$0x0] =	wrdreg $0x60  }
0xaf: {  	[dreg:$0x2] =	wrdreg s2  }
0xb0: {  	[dreg:$0x3] =	wrdreg s24  }
0xb1: {  	[dreg:$0x4] =	wrdreg s18  }
0xb2: {  	[dreg:$0x5] =	wrdreg $0x5800  }
0xb3: {  	[dreg:$0x6] =	wrdreg $0x9  }
0xb4: {  	_ =	task.clear_ibuf [dreg:s8], $0x7FFFF;
	_ =	strace $0x90000046  }
0xb5: {  	s29 =	simm.s32 $0x9;
	_ =	strace $0x80000048  }
0xb6: {  	_ =	swait.ge [sflag:s29], $0x1  }
0xb7: {  	[sflag:s29] =	ssyncadd.s32 $0xFFFFFFFF  }
0xb8: {  	_ =	strace $0x90000048  }
0xb9: {  	_ =	sfence  }
0xba: {  	s30 =	sld [smem:$0x0];
	_ =	sdelay $0x2  }
0xbb: {  	s31 =	sshll.u32 s1, $0xD;
	s1 =	sshrl.u32 s1, $0x2  }
0xbc: {  	s3 =	sand.u32 $0x4000, s31;
	s1 =	sadd.s32 s1, s30  }
0xbd: {  	s0 =	sor.u32 s3, s0;
	s1 =	sshll.u32 s1, $0x11  }
0xbe: {  	s0 =	sor.u32 s1, s0  }
0xbf: {  	s0 =	sadd.s32 $0x8F2B, s0  }
0xc0: {  	[sflag:s0] =	ssyncadd.remote.s32 $0x1  }
0xc1: {  	_ =	sfence.sel $0xFFFF  }
0xc2: {  	[dreg:$0x0] =	wrdreg $0xFFFFFFFF;
	(pc) =	sbr.abs _section_cstart, $3  }
0xc3: {  	[dreg:$0x1] =	wrdreg $0xFFFFFFFF  }
0xc4: {  	_ =	task.clear_ibuf [dreg:s8], $0x2FFFF;
	_ =	strace $0x9FFFFFFF  }
0xc5: {  	(tm) =	ssettm $0x7FFFFFFF  }
tec
execute0_lowered:
.L_overlay_start_1:
0x0: {  	(tag) =	ssettag $0x1  }
0x1: {  	v0 =	vimm.s32 $0xFF;
	v4 =	vimm.s32 $0xFEDCBA98;
	s6 =	rddreg [dreg:$0x1];
	v6 =	vimm.s32 $0x76543210  }
0x2: {  	s8 =	rddreg [dreg:$0x2];
	v16 =	vimm.s32 $0xBA987654;
	v17 =	vimm.s32 $0x10FEDCBA;
	v18 =	vimm.s32 $0x98765432  }
0x3: {  	s1 =	srdreg.scid;
	s11 =	rddreg [dreg:$0x3];
	v19 =	vimm.s32 $0xFEDCBA9;
	v20 =	vimm.s32 $0x87654321;
	v8 =	vunpack.c.l.s4.s8 v4  }
0x4: {  	s0 =	stileid.u32;
	s2 =	rddreg [dreg:$0x4];
	s5 =	sand.u32 $0x1, s1;
	v10 =	vunpack.c.l.s4.s8 v6;
	v16 =	vunpack.c.l.s4.s8 v16;
	v17 =	vunpack.c.l.s4.s8 v17  }
0x5: {  	s3 =	simm.s32 $0x0;
	s9 =	sshrl.u32 s0, $0x3;
	v18 =	vunpack.c.l.s4.s8 v18;
	v19 =	vunpack.c.l.s4.s8 v19;
	v20 =	vunpack.c.l.s4.s8 v20;
	s1 =	sshll.u32 s5, $0x1  }
0x6: {  	s16 =	simm.s32 $0x40;
	s17 =	simm.s32 $0x80;
	s10 =	sor.u32 s9, s1;
	v12 =	vunpack.c.0.s8.s32 v8;
	v14 =	vunpack.c.0.s8.s32 v10;
	v22 =	vunpack.c.0.s8.s32 v17  }
0x7: {  	s18 =	simm.s32 $0x0;
	s12 =	sand.u32 $0x7, s0;
	v18 =	vunpack.c.0.s8.s32 v18;
	v23 =	vunpack.c.0.s8.s32 v19;
	v20 =	vunpack.c.0.s8.s32 v20;
	s1 =	sshll.u32 s10, $0x3  }
0x8: {  	[smem:$0x7FF] =	sst s3;
	s29 =	sshll.u32 s0, $0x4;
	s15 =	sshll.u32 s0, $0x6;
	v16 =	vunpack.c.0.s8.s32 v16;
	v1 =	vshll.u32 v0, s1;
	v0 =	vlaneseq.u32  }
0x9: {  	s4 =	smul.u32 $0x480, s12;
	s7 =	ssub.s32 $0x2, s5;
	s5 =	sadd.s32 $0x400, s6;
	v15 =	vand.u32 $0xF, v12;
	v18 =	vcombine.low v18, v22;
	v20 =	vcombine.low v20, v23  }
0xa: {  	s31 =	sshll.u32 s9, $0x7;
	p0 =	sne.s32 s12, $0x0;
	s12 =	simm.s32 $0x1;
	v1 =	vbroadcast v1, $0x0;
	v2 =	vor.u32 $0xF0, v0;
	v3 =	vor.u32 $0xE0, v0  }
0xb: {  	s15 =	sor.u32 $0x1C01, s15;
	s14 =	sshrl.u32 s7, $0x1;
	s4 =	smin.u32 s4, $0x1F00;
	v4 =	vor.u32 $0xD0, v0;
	v14 =	vcombine.low v15, v14;
	v15 =	vimm.s32 $0x3210FEDC  }
.Ltmp0:
0xc: {  	s14 =	ssub.s32 s7, s14;
	s30 =	sshll.u32 s10, $0x4;
	v5 =	vor.u32 $0xC0, v0;
	v6 =	vor.u32 $0xB0, v0;
	v15 =	vunpack.c.l.s4.s8 v15;
	(pc) =	sbr.rel .LBB2_1-.Ltmp0, $4  }
0xd: {  	s7 =	sadd.s32 s29, s11;
	s9 =	sshll.u32 s10, $0x18;
	s10 =	sadd.s32 s31, s11;
	v7 =	vor.u32 $0xA0, v0;
	v8 =	vor.u32 $0x90, v0;
	v9 =	vor.u32 $0x80, v0  }
0xe: {  	s1 =	rddreg [dreg:$0x0];
	_ =	strace $0x80000047;
	s13 =	sadd.s32 $0xFFFFFC80, s4;
	v10 =	vor.u32 $0x70, v0;
	v11 =	vor.u32 $0x60, v0;
	v21 =	vunpack.c.0.s8.s32 v15  }
0xf: {  	s8 =	sadd.s32 s8, s30;
	s11 =	smax.u32 s14, $0x1;
	v12 =	vor.u32 $0x50, v0;
	v13 =	vor.u32 $0x40, v0;
	s28 =	sshrl.u32 s13, $0x3;
	v17 =	vor.u32 $0x20, v0  }
0x10: {  	s14 =	simm.s32 $0x500;
	s13 =	simm.s32 $0x480;
	v19 =	vor.u32 $0x10, v0;
	s6 =	sadd.s32 s5, s28;
	v15 =	vor.u32 $0x30, v0;
	v16 =	vcombine.low v16, v21  }
.LBB2_7:
0x11: {  	s18 =	sadd.s32 $0x1, s18  }
0x12: {  	p1 =	sne.s32 s18, s11  }
.Ltmp1:
0x13: {  	_ = 	snop;
	(pc) =	sbr.rel @!p1 .LBB2_8-.Ltmp1, $1  }
0x14: {  	_ =	sdelay $0x3  }
.LBB2_1:
.Ltmp2:
0x15: {  	(pc) =	sbr.rel @!p0 .LBB2_2-.Ltmp2, $1  }
0x16: {  	_ =	sdelay $0x3  }
0x17: {  	s19 =	simm.s32 $0x0  }
0x18: {  	[tilespmem:s19], [sflag:$0x1] =	stream.linear.gather [hbm4b:s6+s19], $0x480, $0x38;
	[tilespmem:$0x590] =	vst v63  }
0x19: {  	_ =	swait.ge [sflag:s12], $0x480  }
0x1a: {  	[sflag:s12] =	ssyncset.done $0x0  }
0x1b: {  	s26 =	simm.s32 $0x40;
	[sflag:s12] =	ssyncadd.s32 $0xFFFFFB80  }
0x1c: {  	v21 =	vld [tilespmem:s26+$0xFFFFFFC0];
	_ =	sdelay $0x1  }
0x1d: {  	v22 =	vld [tilespmem:s26+$0xFFFFFFD0];
	_ =	sdelay $0x1  }
0x1e: {  	s20 =	sadd.s32 $0x0, s4;
	v23 =	vld [tilespmem:s26+$0xFFFFFFE0]  }
0x1f: {  	s21 =	sadd.s32 $0xFFFFFC80, s20;
	v21 =	vand.u32 v1, v21  }
0x20: {  	v24 =	vld [tilespmem:s26+$0xFFFFFFF0];
	vm0 =	veq.s32 v21, $0x0;
	v21 =	vor.u32 s21, v0  }
0x21: {  	v25 =	vimm.s32 $0x40000000;
	s28 =	sadd.s32 $0xFFFFFC90, s20;
	v22 =	vand.u32 v1, v22;
	v21 =	vsel vm0, $0x40000000, v21  }
0x22: {  	vm1 =	veq.s32 v22, $0x0;
	v22 =	vor.u32 s28, v0;
	vm0 =	vlt.s32 v25, v21  }
0x23: {  	s29 =	sadd.s32 $0xFFFFFCA0, s20;
	v26 =	vld [tilespmem:s26+$0x0];
	v23 =	vand.u32 v1, v23;
	v22 =	vsel vm1, $0x40000000, v22;
	v21 =	vsel vm0, v25, v21  }
0x24: {  	vm1 =	veq.s32 v23, $0x0;
	v23 =	vor.u32 s29, v0;
	vm0 =	vlt.s32 v21, v22  }
0x25: {  	s30 =	sadd.s32 $0xFFFFFCB0, s20;
	v27 =	vld [tilespmem:s26+$0x10];
	v21 =	vsel vm0, v21, v22;
	v22 =	vsel vm1, $0x40000000, v23;
	v23 =	vand.u32 v1, v24  }
0x26: {  	vm1 =	veq.s32 v23, $0x0;
	v23 =	vor.u32 s30, v0  }
0x27: {  	vm0 =	vlt.s32 v21, v22;
	v24 =	vsel vm1, $0x40000000, v23;
	v23 =	vld [tilespmem:s26+$0x20]  }
0x28: {  	s31 =	sadd.s32 $0xFFFFFCC0, s20;
	v21 =	vsel vm0, v21, v22;
	v22 =	vand.u32 v1, v26  }
0x29: {  	v25 =	vor.u32 s31, v0;
	vm0 =	vlt.s32 v21, v24;
	vm1 =	veq.s32 v22, $0x0;
	v22 =	vld [tilespmem:s26+$0x30]  }
0x2a: {  	s23 =	sadd.s32 $0xFFFFFCD0, s20;
	s19 =	simm.s32 $0xC0;
	v26 =	vand.u32 v1, v27;
	v24 =	vsel vm0, v21, v24;
	v25 =	vsel vm1, $0x40000000, v25  }
0x2b: {  	s22 =	simm.s32 $0x100;
	s21 =	simm.s32 $0x80;
	v21 =	vld [tilespmem:s19+$0xFFFFFFC0];
	vm1 =	veq.s32 v26, $0x0;
	v26 =	vor.u32 s23, v0;
	vm0 =	vlt.s32 v24, v25  }
.LBB2_5:
0x2c: {  	p1 =	sne.s32 s22, $0x400;
	v24 =	vsel vm0, v24, v25;
	v25 =	vsel vm1, $0x40000000, v26;
	v23 =	vand.u32 v1, v23;
	s23 =	sadd.s32 $0xFFFFFCE0, s20  }
0x2d: {  	v26 =	vld [tilespmem:s19+$0xFFFFFFD0];
	vm0 =	vlt.s32 v24, v25;
	vm1 =	veq.s32 v23, $0x0;
	v23 =	vor.u32 s23, v0  }
0x2e: {  	s23 =	sadd.s32 $0xFFFFFCF0, s20;
	v24 =	vsel vm0, v24, v25;
	v23 =	vsel vm1, $0x40000000, v23;
	v22 =	vand.u32 v1, v22  }
0x2f: {  	s20 =	sadd.s32 s21, s4;
	s21 =	smov.u32 s22;
	v25 =	vld [tilespmem:s19+$0xFFFFFFE0];
	vm0 =	vlt.s32 v24, v23;
	vm1 =	veq.s32 v22, $0x0;
	v22 =	vor.u32 s23, v0  }
0x30: {  	s23 =	sadd.s32 $0xFFFFFC80, s20;
	v21 =	vand.u32 v1, v21;
	v23 =	vsel vm0, v24, v23;
	v22 =	vsel vm1, $0x40000000, v22  }
0x31: {  	vm0 =	veq.s32 v21, $0x0;
	v21 =	vor.u32 s23, v0;
	v24 =	vld [tilespmem:s19+$0xFFFFFFF0];
	vm1 =	vlt.s32 v23, v22  }
0x32: {  	s23 =	sadd.s32 $0xFFFFFC90, s20;
	v21 =	vsel vm0, $0x40000000, v21;
	v26 =	vand.u32 v1, v26;
	v22 =	vsel vm1, v23, v22  }
0x33: {  	v23 =	vor.u32 s23, v0;
	vm0 =	vlt.s32 v22, v21;
	vm1 =	veq.s32 v26, $0x0;
	v26 =	vld [tilespmem:s19+$0x0]  }
0x34: {  	s23 =	sadd.s32 $0xFFFFFCA0, s20;
	v21 =	vsel vm0, v22, v21;
	v22 =	vsel vm1, $0x40000000, v23;
	v23 =	vand.u32 v1, v25  }
0x35: {  	vm0 =	vlt.s32 v21, v22;
	vm1 =	veq.s32 v23, $0x0;
	v23 =	vor.u32 s23, v0;
	v27 =	vld [tilespmem:s19+$0x10]  }
0x36: {  	s23 =	sadd.s32 $0xFFFFFCB0, s20;
	v21 =	vsel vm0, v21, v22;
	v22 =	vsel vm1, $0x40000000, v23;
	v23 =	vand.u32 v1, v24  }
.Ltmp3:
0x37: {  	v24 =	vor.u32 s23, v0;
	vm0 =	vlt.s32 v21, v22;
	vm1 =	veq.s32 v23, $0x0;
	v23 =	vld [tilespmem:s19+$0x20];
	(pc) =	sbr.rel @p1 .LBB2_5-.Ltmp3, $4  }
0x38: {  	s23 =	sadd.s32 $0xFFFFFCC0, s20;
	v21 =	vsel vm0, v21, v22;
	v24 =	vsel vm1, $0x40000000, v24;
	v22 =	vand.u32 v1, v26  }
0x39: {  	v25 =	vor.u32 s23, v0;
	vm0 =	vlt.s32 v21, v24;
	vm1 =	veq.s32 v22, $0x0;
	v22 =	vld [tilespmem:s19+$0x30]  }
0x3a: {  	s23 =	sadd.s32 $0xFFFFFCD0, s20;
	s19 =	sadd.s32 $0x80, s19;
	v24 =	vsel vm0, v21, v24;
	v25 =	vsel vm1, $0x40000000, v25;
	v26 =	vand.u32 v1, v27  }
0x3b: {  	s22 =	sadd.s32 $0x80, s22;
	v21 =	vld [tilespmem:s19+$0xFFFFFFC0];
	vm0 =	vlt.s32 v24, v25;
	vm1 =	veq.s32 v26, $0x0;
	v26 =	vor.u32 s23, v0  }
0x3c: {  	v24 =	vsel vm0, v24, v25;
	v56 =	vsel vm1, $0x40000000, v26;
	v23 =	vand.u32 v1, v23;
	s22 =	sadd.s32 $0xFFFFFCE0, s20  }
0x3d: {  	v57 =	vld [tilespmem:s19+$0xFFFFFFD0];
	vm0 =	vlt.s32 v24, v56;
	vm6 =	veq.s32 v23, $0x0;
	v23 =	vor.u32 s22, v0  }
0x3e: {  	s22 =	sadd.s32 $0xFFFFFCF0, s20;
	v24 =	vsel vm0, v24, v56;
	v23 =	vsel vm6, $0x40000000, v23;
	v22 =	vand.u32 v1, v22  }
0x3f: {  	s21 =	sadd.s32 s21, s4;
	v58 =	vld [tilespmem:s19+$0xFFFFFFE0];
	vm0 =	vlt.s32 v24, v23;
	vm7 =	veq.s32 v22, $0x0;
	v22 =	vor.u32 s22, v0  }
0x40: {  	s23 =	sadd.s32 $0xFFFFFC80, s21;
	v21 =	vand.u32 v1, v21;
	v23 =	vsel vm0, v24, v23;
	v22 =	vsel vm7, $0x40000000, v22  }
0x41: {  	v59 =	vld [tilespmem:s19+$0xFFFFFFF0];
	vm8 =	veq.s32 v21, $0x0;
	v21 =	vor.u32 s23, v0;
	vm1 =	vlt.s32 v23, v22  }
0x42: {  	s24 =	sadd.s32 $0xFFFFFC90, s21;
	v26 =	vand.u32 v1, v57;
	v21 =	vsel vm8, $0x40000000, v21;
	v22 =	vsel vm1, v23, v22  }
0x43: {  	v60 =	vld [tilespmem:s19+$0x0];
	vm9 =	veq.s32 v26, $0x0;
	v23 =	vor.u32 s24, v0;
	vm0 =	vlt.s32 v22, v21  }
0x44: {  	s25 =	sadd.s32 $0xFFFFFCA0, s21;
	v21 =	vsel vm0, v22, v21;
	v22 =	vsel vm9, $0x40000000, v23;
	v23 =	vand.u32 v1, v58  }
0x45: {  	v61 =	vld [tilespmem:s19+$0x10];
	vm0 =	vlt.s32 v21, v22;
	vm10 =	veq.s32 v23, $0x0;
	v23 =	vor.u32 s25, v0  }
0x46: {  	s26 =	sadd.s32 $0xFFFFFCB0, s21;
	v21 =	vsel vm0, v21, v22;
	v22 =	vsel vm10, $0x40000000, v23;
	v23 =	vand.u32 v1, v59  }
0x47: {  	v62 =	vld [tilespmem:s19+$0x20];
	vm0 =	vlt.s32 v21, v22;
	vm11 =	veq.s32 v23, $0x0;
	v23 =	vor.u32 s26, v0  }
0x48: {  	s28 =	sadd.s32 $0xFFFFFCC0, s21;
	v21 =	vsel vm0, v21, v22;
	v22 =	vsel vm11, $0x40000000, v23;
	v23 =	vand.u32 v1, v60  }
0x49: {  	v63 =	vld [tilespmem:s19+$0x30];
	vm0 =	vlt.s32 v21, v22;
	vm12 =	veq.s32 v23, $0x0;
	v23 =	vor.u32 s28, v0  }
0x4a: {  	s29 =	sadd.s32 $0xFFFFFCD0, s21;
	v21 =	vsel vm0, v21, v22;
	v22 =	vsel vm12, $0x40000000, v23;
	v23 =	vand.u32 v1, v61  }
0x4b: {  	vm0 =	vlt.s32 v21, v22;
	vm13 =	veq.s32 v23, $0x0;
	v23 =	vor.u32 s29, v0  }
0x4c: {  	s30 =	sadd.s32 $0xFFFFFCE0, s21;
	v21 =	vsel vm0, v21, v22;
	v22 =	vsel vm13, $0x40000000, v23;
	v23 =	vand.u32 v1, v62  }
0x4d: {  	vm0 =	vlt.s32 v21, v22;
	vm14 =	veq.s32 v23, $0x0;
	v23 =	vor.u32 s30, v0  }
0x4e: {  	s31 =	sadd.s32 $0xFFFFFCF0, s21;
	v21 =	vsel vm0, v21, v22;
	v22 =	vsel vm14, $0x40000000, v23;
	v23 =	vand.u32 v1, v63  }
0x4f: {  	vm0 =	vlt.s32 v21, v22;
	vm15 =	veq.s32 v23, $0x0;
	v23 =	vor.u32 s31, v0  }
0x50: {  	v21 =	vsel vm0, v21, v22;
	v22 =	vsel vm15, $0x40000000, v23  }
0x51: {  	vm0 =	vlt.s32 v21, v22  }
0x52: {  	v21 =	vsel vm0, v21, v22  }
0x53: {  	[tilespmem:$0x480] =	vst v21  }
0x54: {  	[spmem:s7] =	stream.linear.scatter [tilespmem:s13], [sflag:$0x1], $0x10, $0x38;
	[tilespmem:$0x590] =	vst v63  }
.Ltmp4:
0x55: {  	_ =	swait.ge [sflag:s12], $0x10;
	(pc) =	sbr.rel .LBB2_7-.Ltmp4, $3  }
0x56: {  	[sflag:s12] =	ssyncset.done $0x0  }
0x57: {  	[sflag:s12] =	ssyncadd.s32 $0xFFFFFFF0  }
0x58: {  	[bflag:$0x0] =	sbarrier.arrive $0xFFFF;
	_ =	sdelay $0x1  }
.LBB2_2:
0x59: {  	[tilespmem:s3], [sflag:$0x1] =	stream.linear.gather [hbm4b:s5+s3], $0x100, $0x38;
	[tilespmem:$0x590] =	vst v63  }
0x5a: {  	_ =	swait.ge [sflag:s12], $0x100  }
0x5b: {  	[sflag:s12] =	ssyncset.done $0x0  }
0x5c: {  	[sflag:s12] =	ssyncadd.s32 $0xFFFFFF00  }
0x5d: {  	v21 =	vld [tilespmem:$0xF0]  }
0x5e: {  	v22 =	vld [tilespmem:$0xE0]  }
0x5f: {  	v23 =	vld [tilespmem:$0xD0]  }
0x60: {  	v24 =	vld [tilespmem:$0xC0]  }
0x61: {  	v25 =	vld [tilespmem:$0xB0]  }
0x62: {  	v26 =	vld [tilespmem:$0xA0];
	v21 =	vand.u32 v1, v21  }
0x63: {  	v27 =	vld [tilespmem:$0x90];
	v22 =	vand.u32 v1, v22;
	vm0 =	veq.s32 v21, $0x0  }
0x64: {  	v23 =	vand.u32 v1, v23;
	v21 =	vld [tilespmem:$0x80];
	vm1 =	veq.s32 v22, $0x0;
	v22 =	vsel vm0, $0x40000000, v2  }
0x65: {  	v24 =	vand.u32 v1, v24;
	vm13 =	veq.s32 v23, $0x0;
	v23 =	vld [tilespmem:$0x70];
	v22 =	vsel vm1, v22, v3  }
0x66: {  	v57 =	vld [tilespmem:$0x60];
	v25 =	vand.u32 v1, v25;
	vm14 =	veq.s32 v24, $0x0;
	v22 =	vsel vm13, v22, v4  }
0x67: {  	v58 =	vld [tilespmem:$0x50];
	v26 =	vand.u32 v1, v26;
	vm15 =	veq.s32 v25, $0x0;
	v22 =	vsel vm14, v22, v5  }
0x68: {  	v59 =	vld [tilespmem:$0x40];
	v27 =	vand.u32 v1, v27;
	vm4 =	veq.s32 v26, $0x0;
	v22 =	vsel vm15, v22, v6  }
0x69: {  	v60 =	vld [tilespmem:$0x30];
	vm5 =	veq.s32 v27, $0x0;
	v21 =	vand.u32 v1, v21;
	v22 =	vsel vm4, v22, v7  }
0x6a: {  	v23 =	vand.u32 v1, v23;
	vm6 =	veq.s32 v21, $0x0;
	v21 =	vld [tilespmem:$0x20];
	v22 =	vsel vm5, v22, v8  }
0x6b: {  	v24 =	vand.u32 v1, v57;
	vm7 =	veq.s32 v23, $0x0;
	v23 =	vld [tilespmem:$0x10];
	v22 =	vsel vm6, v22, v9  }
0x6c: {  	v61 =	vld [tilespmem:$0x0];
	v25 =	vand.u32 v1, v58;
	vm8 =	veq.s32 v24, $0x0;
	v22 =	vsel vm7, v22, v10  }
0x6d: {  	v62 =	vand.u32 v1, v59;
	vm9 =	veq.s32 v25, $0x0;
	v22 =	vsel vm8, v22, v11  }
0x6e: {  	v63 =	vand.u32 v1, v60;
	vm10 =	veq.s32 v62, $0x0;
	v22 =	vsel vm9, v22, v12  }
0x6f: {  	vm11 =	veq.s32 v63, $0x0;
	v21 =	vand.u32 v1, v21;
	v22 =	vsel vm10, v22, v13  }
0x70: {  	vm12 =	veq.s32 v21, $0x0;
	v21 =	vand.u32 v1, v23;
	v22 =	vsel vm11, v22, v15  }
0x71: {  	v23 =	vand.u32 v1, v61;
	vm13 =	veq.s32 v21, $0x0;
	v21 =	vsel vm12, v22, v17  }
0x72: {  	vm14 =	veq.s32 v23, $0x0;
	v21 =	vsel vm13, v21, v19  }
0x73: {  	v21 =	vsel vm14, v21, v0  }
0x74: {  	v22 =	vperm.xlane v21, v14;
	_ =	sdelay $0x1  }
0x75: {  	vm15 =	vlt.s32 v21, v22  }
0x76: {  	v22 =	vsel vm15, v21, v22  }
0x77: {  	v23 =	vperm.xlane v22, v16;
	_ =	sdelay $0x1  }
0x78: {  	vm0 =	vlt.s32 v22, v23  }
0x79: {  	v22 =	vsel vm0, v22, v23  }
0x7a: {  	v23 =	vperm.xlane v22, v18;
	_ =	sdelay $0x1  }
0x7b: {  	vm0 =	vlt.s32 v22, v23  }
0x7c: {  	v22 =	vsel vm0, v22, v23  }
0x7d: {  	v23 =	vperm.xlane v22, v20;
	_ =	sdelay $0x1  }
0x7e: {  	vm0 =	vlt.s32 v22, v23  }
0x7f: {  	v22 =	vsel vm0, v22, v23  }
0x80: {  	(v2sf) =	vpush v22, $0x0;
	_ =	sdelay $0xe  }
0x81: {  	s19 =	spop (v2sf)  }
0x82: {  	p1 =	sgt.s32 s19, $0x3FFFFFFF  }
0x83: {  	s20 =	sshll.u32 @!p1 s19, $0xB  }
0x84: {  	s21 =	sshll.u32 @!p1 s19, $0x7;
	s20 =	sand.u32 @!p1 $0xFFFFC000, s20  }
0x85: {  	s21 =	sand.u32 @!p1 $0x380, s21;
	s20 =	sadd.s32 @!p1 s9, s20  }
0x86: {  	[smem:$0x0] =	sst s19;
	s22 =	simm.s32 @!p1 $0x40;
	s20 =	sor.u32 @!p1 s21, s20  }
0x87: {  	s23 =	simm.s32 @!p1 $0x80;
	s21 =	sshll.u32 @!p1 s0, $0x6;
	s20 =	sshrl.u32 @!p1 s20, $0x3  }
0x88: {  	s19 =	sadd.s32 @!p1 s1, s20;
	s20 =	sor.u32 @!p1 $0x1C01, s21;
	s21 =	simm.s32 @!p1 $0x1  }
0x89: {  	[hbm:s8@s22], [sflag:s20] =	dma.strided @!p1 [hbm:s19@s23], $0x100, s21, $0x10   }
0x8a: {  	_ =	swait.ge @!p1 [sflag:s21], $0x100  }
0x8b: {  	[sflag:s21] =	ssyncset.done @!p1 $0x0  }
0x8c: {  	[sflag:s21] =	ssyncadd.s32 @!p1 $0xFFFFFF00  }
0x8d: {  	[tilespmem:$0x480] =	vst v21  }
0x8e: {  	[spmem:s7] =	stream.linear.scatter [tilespmem:s13], [sflag:$0x1], $0x10, $0x38;
	[tilespmem:$0x590] =	vst v63  }
0x8f: {  	_ =	swait.ge [sflag:s12], $0x10  }
0x90: {  	[sflag:s12] =	ssyncset.done $0x0  }
0x91: {  	[sflag:s12] =	ssyncadd.s32 $0xFFFFFFF0  }
0x92: {  	[bflag:$0x0] =	sbarrier.arrive $0xFFFF  }
0x93: {  	s31 =	sld [smem:$0x0];
	_ =	sdelay $0x2  }
0x94: {  	p1 =	slt.s32 s31, $0x40000000  }
.Ltmp5:
0x95: {  	_ = 	snop;
	(pc) =	sbr.rel @p1 .LBB2_7-.Ltmp5, $1  }
0x96: {  	_ =	sdelay $0x3  }
0x97: {  	[tilespmem:s14], [sflag:$0x1] =	stream.linear.gather [spmem:s10], $0x80, $0x38;
	[tilespmem:$0x590] =	vst v63  }
0x98: {  	_ =	swait.ge [sflag:s12], $0x80  }
0x99: {  	[sflag:s12] =	ssyncset.done $0x0  }
0x9a: {  	[sflag:s12] =	ssyncadd.s32 $0xFFFFFF80  }
0x9b: {  	v21 =	vld [tilespmem:$0x500]  }
0x9c: {  	v22 =	vld [tilespmem:$0x510];
	_ =	sdelay $0x1  }
0x9d: {  	v23 =	vld [tilespmem:$0x520];
	_ =	sdelay $0x1  }
0x9e: {  	v24 =	vld [tilespmem:$0x530]  }
0x9f: {  	vm0 =	vlt.s32 v21, v22  }
0xa0: {  	v21 =	vsel vm0, v21, v22;
	v22 =	vld [tilespmem:$0x540]  }
0xa1: {  	vm0 =	vlt.s32 v21, v23  }
0xa2: {  	v21 =	vsel vm0, v21, v23;
	v23 =	vld [tilespmem:$0x550]  }
0xa3: {  	vm0 =	vlt.s32 v21, v24  }
0xa4: {  	v63 =	vld [tilespmem:$0x560];
	v21 =	vsel vm0, v21, v24  }
0xa5: {  	vm0 =	vlt.s32 v21, v22  }
0xa6: {  	v21 =	vsel vm0, v21, v22;
	v22 =	vld [tilespmem:$0x570]  }
0xa7: {  	vm0 =	vlt.s32 v21, v23  }
0xa8: {  	v21 =	vsel vm0, v21, v23  }
0xa9: {  	vm0 =	vlt.s32 v21, v63  }
0xaa: {  	v21 =	vsel vm0, v21, v63  }
0xab: {  	vm0 =	vlt.s32 v21, v22  }
0xac: {  	v21 =	vsel vm0, v21, v22  }
0xad: {  	v22 =	vperm.xlane v21, v14;
	_ =	sdelay $0x1  }
0xae: {  	vm0 =	vlt.s32 v21, v22  }
0xaf: {  	v21 =	vsel vm0, v21, v22  }
0xb0: {  	v22 =	vperm.xlane v21, v16;
	_ =	sdelay $0x1  }
0xb1: {  	vm0 =	vlt.s32 v21, v22  }
0xb2: {  	v21 =	vsel vm0, v21, v22  }
0xb3: {  	v22 =	vperm.xlane v21, v18;
	_ =	sdelay $0x1  }
0xb4: {  	vm0 =	vlt.s32 v21, v22  }
0xb5: {  	v21 =	vsel vm0, v21, v22  }
0xb6: {  	v22 =	vperm.xlane v21, v20;
	_ =	sdelay $0x1  }
0xb7: {  	vm0 =	vlt.s32 v21, v22  }
0xb8: {  	v21 =	vsel vm0, v21, v22  }
0xb9: {  	(v2sf) =	vpush v21, $0x0;
	_ =	sdelay $0xe  }
0xba: {  	s19 =	spop (v2sf)  }
0xbb: {  	p1 =	slt.s32 s19, $0x40000000  }
0xbc: {  	s19 =	simm.s32 @!p1 $0x0  }
0xbd: {  	s20 =	sshll.u32 s19, $0xB  }
0xbe: {  	s19 =	sshll.u32 s19, $0x7;
	s20 =	sand.u32 $0xFFFFC000, s20  }
0xbf: {  	s19 =	sand.u32 $0x380, s19;
	s20 =	sadd.s32 s9, s20  }
0xc0: {  	s19 =	sor.u32 s19, s20  }
0xc1: {  	s19 =	sshrl.u32 s19, $0x3  }
.Ltmp6:
0xc2: {  	s19 =	sadd.s32 s1, s19;
	(pc) =	sbr.rel .LBB2_7-.Ltmp6, $4  }
0xc3: {  	[hbm:s8@s16], [sflag:s15] =	dma.strided [hbm:s19@s17], $0x100, s12, $0x10   }
0xc4: {  	_ =	swait.ge [sflag:s12], $0x100  }
0xc5: {  	[sflag:s12] =	ssyncset.done $0x0  }
0xc6: {  	[sflag:s12] =	ssyncadd.s32 $0xFFFFFF00  }
.LBB2_8:
0xc7: {  	_ =	sfence.sel $0x180000  }
0xc8: {  	[bflag:$0x0] =	sbarrier.arrive $0xFFFF  }
0xc9: {  	p0 =	sne.s32 s0, $0x0;
	_ =	strace $0x90000047  }
0xca: {  	s0 =	sadd.s32 @!p0 $0x100000, s2;
	[bflag:$0x2] =	sbarrier.arrive $0xFFFF  }
0xcb: {  	[sflag:s0] =	ssyncadd.tile.s32 @!p0 $0x1;
	_ =	shalt  }
.Lfunc_end2:
_tile_overlayer_lowered:
.L_overlay_start_2:
0xcc: {  	(tag) =	ssettag $0x2  }
0xcd: {  	s0 =	rddreg [dreg:$0x0];
	s2 =	stileid.u32  }
0xce: {  	s1 =	rddreg [dreg:$0x1];
	p0 =	sne.s32 s2, $0x0  }
0xcf: {  	s3 =	rddreg [dreg:$0x2];
	[bflag:$0x3] =	sbarrier.arrive $0xFFFF;
	s2 =	simm.s32 @!p0 $0x1C01  }
0xd0: {  	[timem:s3], [sflag:s2] =	dma.local @!p0 [hbm:s0], s1  }
0xd1: {  	s0 =	simm.s32 @!p0 $0x1  }
0xd2: {  	_ =	swait.ge @!p0 [sflag:s0], s1  }
0xd3: {  	s1 =	ssub.s32 @!p0 $0x0, s1;
	[sflag:s0] =	ssyncset.done @!p0 $0x0  }
0xd4: {  	[sflag:s0] =	ssyncadd.s32 @!p0 s1  }
0xd5: {  	[bflag:$0x3] =	sbarrier.arrive $0xFFFF  }
0xd6: {  	_ =	shalt  }

</sc_bundles>
